<compile_context>
chip_gen: v7x
topology: tpu7x:2x2x1
jax: 0.10.2.dev20260603
libtpu: 0.0.44.dev20260713+nightly
codegen_flags: <defaults>
</compile_context>

<pallas_src>
import functools

import jax
import jax.numpy as jnp
from jax import lax
from jax.experimental import pallas as pl
from jax.experimental.pallas import tpu as pltpu
from jax.experimental.pallas import tpu_sc as plsc

NC, NS = 2, 16
NW = NC * NS
LG = 128
KG = 4
KS = 1


def _leaky(x, slope=0.01):
    return jnp.where(x >= 0, x, slope * x)


def _ln(x, g, b, eps=1e-5):
    mu = jnp.mean(x, axis=-1, keepdims=True)
    var = jnp.mean((x - mu) ** 2, axis=-1, keepdims=True)
    return (x - mu) * lax.rsqrt(var + eps) * g + b



def _sc_gather_body(x_hbm, cand_hbm, gx_hbm, idx_v, rows_v, sem, *, groups):
    c = lax.axis_index("c")
    s = lax.axis_index("s")
    wid = s * NC + c
    row0 = wid * groups * KG

    def step(g, carry):
        r = row0 + g * KG
        pltpu.sync_copy(cand_hbm.at[pl.ds(r, KG), :], idx_v)
        descs = []
        for j in range(KG):
            descs.append(pltpu.async_copy(
                x_hbm.at[idx_v.at[j]], rows_v.at[pl.ds(j * LG, LG), :], sem))
        for d in descs:
            d.wait()
        pltpu.sync_copy(rows_v, gx_hbm.at[pl.ds(r * LG, KG * LG), :])
        return carry

    lax.fori_loop(0, groups, step, 0)


def _sc_gather(x, cand2d, groups, DN):
    Ep = cand2d.shape[0] * LG
    fn = pl.kernel(
        functools.partial(_sc_gather_body, groups=groups),
        out_type=jax.ShapeDtypeStruct((Ep, DN), jnp.float32),
        mesh=plsc.VectorSubcoreMesh(core_axis_name="c", subcore_axis_name="s"),
        scratch_types=[
            pltpu.VMEM((KG, LG), jnp.int32),
            pltpu.VMEM((KG * LG, DN), jnp.float32),
            pltpu.SemaphoreType.DMA,
        ],
    )
    return fn(x, cand2d)



def _sc_scatter_body(h01_hbm, col_hbm, zrow_hbm, agg_hbm, idx_v, rows_v, sem,
                     acc, *, groups, rows_per_sub, HW):
    c = lax.axis_index("c")
    s = lax.axis_index("s")

    pltpu.sync_copy(zrow_hbm, acc.at[pl.ds(s * rows_per_sub, rows_per_sub), :])
    plsc.subcore_barrier()

    def fire(g, b):
        r = s * groups + g
        pltpu.async_copy(col_hbm.at[r, :], idx_v.at[b], sem.at[b])
        pltpu.async_copy(h01_hbm.at[c, pl.ds(r * LG, LG), :], rows_v.at[b],
                         sem.at[b])

    def drain(g, b):
        r = s * groups + g
        pltpu.make_async_copy(col_hbm.at[r, :], idx_v.at[b], sem.at[b]).wait()
        pltpu.make_async_copy(h01_hbm.at[c, pl.ds(r * LG, LG), :], rows_v.at[b],
                              sem.at[b]).wait()

    fire(0, 0)

    def step(g, carry):
        b = lax.rem(g, 2)
        drain(g, b)

        @pl.when(g + 1 < groups)
        def _():
            fire(g + 1, 1 - b)

        pltpu.sync_copy(rows_v.at[b], acc.at[idx_v.at[b]], add=True)
        return carry

    lax.fori_loop(0, groups, step, 0)
    plsc.subcore_barrier()
    pltpu.sync_copy(acc.at[pl.ds(s * rows_per_sub, rows_per_sub), :],
                    agg_hbm.at[c, pl.ds(s * rows_per_sub, rows_per_sub), :])


def _sc_scatter(h01, col2d, Np, HW):
    rows_per_sub = Np // NS
    groups = col2d.shape[0] // NS
    zrow = jnp.zeros((rows_per_sub, HW), jnp.float32)
    fn = pl.kernel(
        functools.partial(_sc_scatter_body, groups=groups,
                          rows_per_sub=rows_per_sub, HW=HW),
        out_type=jax.ShapeDtypeStruct((NC, Np, HW), jnp.float32),
        mesh=plsc.VectorSubcoreMesh(core_axis_name="c", subcore_axis_name="s"),
        scratch_types=[
            pltpu.VMEM((2, LG), jnp.int32),
            pltpu.VMEM((2, LG, HW), jnp.float32),
            pltpu.SemaphoreType.DMA((2,)),
            pltpu.VMEM_SHARED((Np, HW), jnp.float32),
        ],
        compiler_params=pltpu.CompilerParams(use_tc_tiling_on_sc=False),
    )
    return fn(h01, col2d, zrow)



def _edge_kernel(gx_ref, ea_ref, w1ax_ref, w1ae_ref, b1a_ref, g1_ref, be1_ref,
                 w1b_ref, b1b_ref, h01_ref, *, HW):
    C = gx_ref.shape[0]
    h = (jnp.dot(gx_ref[...], w1ax_ref[...], preferred_element_type=jnp.float32)
         + jnp.dot(ea_ref[...], w1ae_ref[...], preferred_element_type=jnp.float32)
         + b1a_ref[...])
    h = _leaky(h)
    h = _ln(h, g1_ref[...], be1_ref[...])
    h2 = jnp.dot(h, w1b_ref[...], preferred_element_type=jnp.float32) + b1b_ref[...]
    DO = h2.shape[1]
    h01_ref[0, :, :] = h2[:, :HW]
    h01_ref[1, :, :] = jnp.concatenate(
        [h2[:, HW:], jnp.ones((C, 2 * HW - DO), jnp.float32)], axis=1)



def _node_kernel(x_ref, agg_ref, b_ref, u_ref,
                 w2ax_ref, w2ag_ref, w2au_ref, b2a_ref, g2_ref, be2_ref,
                 w2b_ref, b2b_ref, out_ref, *, G, HW, DO):
    R = x_ref.shape[0]
    a0 = agg_ref[0, :, :]
    a1 = agg_ref[1, :, :]
    cnt = a1[:, DO - HW:DO - HW + 1]
    inv = 1.0 / jnp.clip(cnt, 1.0, None)
    aggm = jnp.concatenate([a0, a1[:, :DO - HW]], axis=1) * inv
    oh = (b_ref[...] == lax.broadcasted_iota(jnp.int32, (R, G), 1)).astype(jnp.float32)
    ub = jnp.dot(oh, u_ref[...], preferred_element_type=jnp.float32)
    h = (jnp.dot(x_ref[...], w2ax_ref[...], preferred_element_type=jnp.float32)
         + jnp.dot(aggm, w2ag_ref[...], preferred_element_type=jnp.float32)
         + jnp.dot(ub, w2au_ref[...], preferred_element_type=jnp.float32)
         + b2a_ref[...])
    h = _leaky(h)
    h = _ln(h, g2_ref[...], be2_ref[...])
    out_ref[...] = jnp.dot(h, w2b_ref[...], preferred_element_type=jnp.float32) + b2b_ref[...]


def kernel(x, edge_index, edge_attr, u, batch,
           W1a, b1a, ln1_g, ln1_b, W1b, b1b,
           W2a, b2a, ln2_g, ln2_b, W2b, b2b):
    N, DN = x.shape
    E, DE = edge_attr.shape
    G, DG = u.shape
    DO = W1a.shape[0]
    HW = 144
    Np = ((N + 8 + NS * 8 - 1) // (NS * 8)) * (NS * 8)

    CH = NW * KG * LG
    Ep = ((E + CH - 1) // CH) * CH
    cand = edge_index[0]
    col = edge_index[1]
    if Ep != E:
        pad = Ep - E
        cand = jnp.concatenate([cand, jnp.zeros((pad,), jnp.int32)])
        trash = N + (jnp.arange(pad, dtype=jnp.int32) % 8)
        col = jnp.concatenate([col, trash])
        edge_attr = jnp.concatenate(
            [edge_attr, jnp.zeros((pad, DE), jnp.float32)], axis=0)
    cand2d = cand.reshape(Ep // LG, LG)
    col2d = col.reshape(Ep // LG, LG)
    groups = Ep // (NW * KG * LG)

    gx = _sc_gather(x, cand2d, groups, DN)

    C = 4096
    steps = Ep // C
    full = lambda shape: pl.BlockSpec(shape, lambda i: (0,) * len(shape))
    h01 = pl.pallas_call(
        functools.partial(_edge_kernel, HW=HW),
        grid=(steps,),
        in_specs=[
            pl.BlockSpec((C, DN), lambda i: (i, 0)),
            pl.BlockSpec((C, DE), lambda i: (i, 0)),
            full((DN, DO)),
            full((DE, DO)),
            full((1, DO)),
            full((1, DO)),
            full((1, DO)),
            full((DO, DO)),
            full((1, DO)),
        ],
        out_specs=pl.BlockSpec((NC, C, HW), lambda i: (0, i, 0)),
        out_shape=jax.ShapeDtypeStruct((NC, Ep, HW), jnp.float32),
    )(gx, edge_attr, W1a[:, :DN].T, W1a[:, DN:].T,
      b1a[None, :], ln1_g[None, :], ln1_b[None, :], W1b.T, b1b[None, :])

    agg01 = _sc_scatter(h01, col2d, Np, HW)

    R = 1000
    if N % R != 0:
        R = 8
    nsteps = N // R
    out = pl.pallas_call(
        functools.partial(_node_kernel, G=G, HW=HW, DO=DO),
        grid=(nsteps,),
        in_specs=[
            pl.BlockSpec((R, DN), lambda i: (i, 0)),
            pl.BlockSpec((NC, R, HW), lambda i: (0, i, 0)),
            pl.BlockSpec((R, 1), lambda i: (i, 0)),
            full((G, DG)),
            full((DN, DO)),
            full((DO, DO)),
            full((DG, DO)),
            full((1, DO)),
            full((1, DO)),
            full((1, DO)),
            full((DO, DO)),
            full((1, DO)),
        ],
        out_specs=pl.BlockSpec((R, DO), lambda i: (i, 0)),
        out_shape=jax.ShapeDtypeStruct((N, DO), jnp.float32),
    )(x, agg01, batch[:, None], u,
      W2a[:, :DN].T, W2a[:, DN:DN + DO].T, W2a[:, DN + DO:].T,
      b2a[None, :], ln2_g[None, :], ln2_b[None, :], W2b.T, b2b[None, :])
    return out

# --- scband reference (transcript-rebuilt; emitter-appended) ---
"""Pipeline reference for scband-graph-aware-node-model-2370821947611 (READ-ONLY COPY).

The authoritative reference and input builder live on the scoring server;
editing this copy changes nothing except your own understanding.
"""

import jax, jax.numpy as jnp
import numpy as np

N, E, G = 10000, 320000, 16
D_NODE, D_EDGE, D_GRAPH, D_OUT = 128, 16, 64, 256


def _leaky_relu(x, slope=0.01):
    return jnp.where(x >= 0, x, slope * x)


def _layer_norm(x, g, b, eps=1e-5):
    mu = jnp.mean(x, axis=-1, keepdims=True)
    var = jnp.mean((x - mu) ** 2, axis=-1, keepdims=True)
    return (x - mu) / jnp.sqrt(var + eps) * g + b


def setup_inputs(seed: int = 0) -> dict:
    key = jax.random.key(seed)
    ks = jax.random.split(key, 16)
    x = jax.random.normal(ks[0], (N, D_NODE), jnp.float32)
    edge_index = jax.random.randint(ks[1], (2, E), 0, N, jnp.int32)
    edge_attr = jax.random.normal(ks[2], (E, D_EDGE), jnp.float32)
    u = jax.random.normal(ks[3], (G, D_GRAPH), jnp.float32)
    batch = jnp.sort(jax.random.randint(ks[4], (N,), 0, G, jnp.int32))
    s = 0.05
    W1a = jax.random.normal(ks[5], (D_OUT, D_NODE + D_EDGE), jnp.float32) * s
    b1a = jnp.zeros((D_OUT,), jnp.float32)
    ln1_g = jnp.ones((D_OUT,), jnp.float32)
    ln1_b = jnp.zeros((D_OUT,), jnp.float32)
    W1b = jax.random.normal(ks[6], (D_OUT, D_OUT), jnp.float32) * s
    b1b = jnp.zeros((D_OUT,), jnp.float32)
    W2a = jax.random.normal(ks[7], (D_OUT, D_NODE + D_OUT + D_GRAPH), jnp.float32) * s
    b2a = jnp.zeros((D_OUT,), jnp.float32)
    ln2_g = jnp.ones((D_OUT,), jnp.float32)
    ln2_b = jnp.zeros((D_OUT,), jnp.float32)
    W2b = jax.random.normal(ks[8], (D_OUT, D_OUT), jnp.float32) * s
    b2b = jnp.zeros((D_OUT,), jnp.float32)
    return {"x": x, "edge_index": edge_index, "edge_attr": edge_attr, "u": u, "batch": batch,
            "W1a": W1a, "b1a": b1a, "ln1_g": ln1_g, "ln1_b": ln1_b, "W1b": W1b, "b1b": b1b,
            "W2a": W2a, "b2a": b2a, "ln2_g": ln2_g, "ln2_b": ln2_b, "W2b": W2b, "b2b": b2b}


def reference(x, edge_index, edge_attr, u, batch,
              W1a, b1a, ln1_g, ln1_b, W1b, b1b,
              W2a, b2a, ln2_g, ln2_b, W2b, b2b):
    cand = edge_index[0]
    col = edge_index[1]
    out = jnp.concatenate([jnp.take(x, cand, axis=0), edge_attr], axis=1)
    out = out @ W1a.T + b1a
    out = _leaky_relu(out)
    out = _layer_norm(out, ln1_g, ln1_b)
    out = out @ W1b.T + b1b
    seg_sum = jax.ops.segment_sum(out, col, num_segments=x.shape[0])
    cnt = jax.ops.segment_sum(jnp.ones((col.shape[0],), jnp.float32), col, num_segments=x.shape[0])
    agg = seg_sum / jnp.clip(cnt, 1.0, None)[:, None]
    out = jnp.concatenate([x, agg, jnp.take(u, batch, axis=0)], axis=1)
    out = out @ W2a.T + b2a
    out = _leaky_relu(out)
    out = _layer_norm(out, ln2_g, ln2_b)
    out = out @ W2b.T + b2b
    return out

if __name__ == "__main__":
    import jax
    _d = setup_inputs()
    print(jax.jit(kernel)(*tuple(_d.values())))

</pallas_src>

<mosaic_0001>
#map = affine_map<(d0, d1) -> (0, 0)>
module attributes {stable_mosaic.version = 14 : i64} {
  func.func @_sc_gather_body(%arg0: i32, %arg1: i32, %arg2: memref<10000x128xf32, #tpu.memory_space<hbm>>, %arg3: memref<2560x128xi32, #tpu.memory_space<hbm>>, %arg4: memref<327680x128xf32, #tpu.memory_space<hbm>>, %arg5: memref<4x128xi32, #tpu.memory_space<vmem>>, %arg6: memref<512x128xf32, #tpu.memory_space<vmem>>, %arg7: memref<!tpu.dma_semaphore, #tpu.memory_space<semaphore_mem>>) attributes {dimension_semantics = [#tpu.dimension_semantics<core_parallel>, #tpu.dimension_semantics<subcore_parallel>], iteration_bounds = array<i64: 2, 16>, scalar_prefetch = 0 : i64, scratch_operands = 3 : i64, tpu.core_type = #tpu.core_type<sc_vector_subcore>, window_params = [{transform_indices = #map}, {transform_indices = #map}, {transform_indices = #map}]} {
    %mul3A = arith.constant 2 : i32
    %mul3A_0 = arith.muli %arg1, %mul3A : i32
    %add3A = arith.addi %mul3A_0, %arg0 : i32
    %mul3A_1 = arith.constant 20 : i32
    %mul3A_2 = arith.muli %add3A, %mul3A_1 : i32
    %mul3A_3 = arith.constant 4 : i32
    %mul3A_4 = arith.muli %mul3A_2, %mul3A_3 : i32
    %scan3A = arith.constant 0 : i32
    %scan3A_5 = arith.constant 0 : i32
    %scan3A_6 = arith.constant 20 : i32
    %scan3A_7 = arith.addi %scan3A_5, %scan3A_6 : i32
    %scan3A_8 = arith.constant 1 : i32
    scf.for %scan3A_10 = %scan3A_5 to %scan3A_7 step %scan3A_8  : i32 {
      %mul3A_11 = arith.constant 4 : i32
      %mul3A_12 = arith.muli %scan3A_10, %mul3A_11 : i32
      %add3A_13 = arith.addi %mul3A_4, %mul3A_12 : i32
      "tpu.region"() ({
        %run_scoped3A = tpu.sem_alloc : memref<!tpu.dma_semaphore, #tpu.memory_space<semaphore_mem>>
        %dma_start3A_94 = arith.constant 0 : i32
        %dma_start3A_95 = tpu.memref_slice %arg3[%add3A_13, %dma_start3A_94] : memref<2560x128xi32, #tpu.memory_space<hbm>> -> memref<4x128xi32, #tpu.memory_space<hbm>>
        %dma_start3A_96 = arith.constant 0 : i32
        %dma_start3A_97 = tpu.memref_slice %arg3[%add3A_13, %dma_start3A_96] : memref<2560x128xi32, #tpu.memory_space<hbm>> -> memref<4x128xi32, #tpu.memory_space<hbm>>
        tpu.enqueue_dma source(%dma_start3A_97 : memref<4x128xi32, #tpu.memory_space<hbm>>) target(%arg5 : memref<4x128xi32, #tpu.memory_space<vmem>>) target_semaphore(%run_scoped3A : memref<!tpu.dma_semaphore, #tpu.memory_space<semaphore_mem>>)
        %dma_wait3A_98 = arith.constant 0 : i32
        %dma_wait3A_99 = tpu.memref_slice %arg3[%add3A_13, %dma_wait3A_98] : memref<2560x128xi32, #tpu.memory_space<hbm>> -> memref<4x128xi32, #tpu.memory_space<hbm>>
        %dma_wait3A_100 = arith.constant 0 : i32
        %dma_wait3A_101 = tpu.memref_slice %arg3[%add3A_13, %dma_wait3A_100] : memref<2560x128xi32, #tpu.memory_space<hbm>> -> memref<4x128xi32, #tpu.memory_space<hbm>>
        tpu.wait_dma2 semaphore(%run_scoped3A : memref<!tpu.dma_semaphore, #tpu.memory_space<semaphore_mem>>) src(%dma_wait3A_101 : memref<4x128xi32, #tpu.memory_space<hbm>>) dst(%arg5 : memref<4x128xi32, #tpu.memory_space<vmem>>)
        tpu.yield
      }) : () -> ()
      %dma_start3A = arith.constant 0 : i32
      %dma_start3A_14 = arith.constant 0 : i32
      %dma_start3A_15 = arith.constant 0 : i32
      %dma_start3A_16 = tpu.memref_slice %arg6[%dma_start3A_14, %dma_start3A_15] : memref<512x128xf32, #tpu.memory_space<vmem>> -> memref<128x128xf32, #tpu.memory_space<vmem>>
      %dma_start3A_17 = arith.constant 0 : i32
      %dma_start3A_18 = tpu.memref_slice %arg5[%dma_start3A, %dma_start3A_17] : memref<4x128xi32, #tpu.memory_space<vmem>> -> memref<1x128xi32, #tpu.memory_space<vmem>>
      %dma_start3A_19 = tpu.memref_squeeze %dma_start3A_18 : memref<1x128xi32, #tpu.memory_space<vmem>> -> memref<128xi32, #tpu.memory_space<vmem>>
      %dma_start3A_20 = arith.constant 0 : i32
      %dma_start3A_21 = arith.constant 0 : i32
      %dma_start3A_22 = tpu.memref_slice %arg2[%dma_start3A_20, %dma_start3A_21] : memref<10000x128xf32, #tpu.memory_space<hbm>> -> memref<10000x128xf32, #tpu.memory_space<hbm>>
      tpu.enqueue_indirect_dma source(%dma_start3A_22 : memref<10000x128xf32, #tpu.memory_space<hbm>>) target(%dma_start3A_16 : memref<128x128xf32, #tpu.memory_space<vmem>>) offsets(%dma_start3A_19 : memref<128xi32, #tpu.memory_space<vmem>>) semaphore(%arg7 : memref<!tpu.dma_semaphore, #tpu.memory_space<semaphore_mem>>)
      %dma_start3A_23 = arith.constant 1 : i32
      %dma_start3A_24 = arith.constant 128 : i32
      %dma_start3A_25 = arith.constant 0 : i32
      %dma_start3A_26 = tpu.memref_slice %arg6[%dma_start3A_24, %dma_start3A_25] : memref<512x128xf32, #tpu.memory_space<vmem>> -> memref<128x128xf32, #tpu.memory_space<vmem>>
      %dma_start3A_27 = arith.constant 0 : i32
      %dma_start3A_28 = tpu.memref_slice %arg5[%dma_start3A_23, %dma_start3A_27] : memref<4x128xi32, #tpu.memory_space<vmem>> -> memref<1x128xi32, #tpu.memory_space<vmem>>
      %dma_start3A_29 = tpu.memref_squeeze %dma_start3A_28 : memref<1x128xi32, #tpu.memory_space<vmem>> -> memref<128xi32, #tpu.memory_space<vmem>>
      %dma_start3A_30 = arith.constant 0 : i32
      %dma_start3A_31 = arith.constant 0 : i32
      %dma_start3A_32 = tpu.memref_slice %arg2[%dma_start3A_30, %dma_start3A_31] : memref<10000x128xf32, #tpu.memory_space<hbm>> -> memref<10000x128xf32, #tpu.memory_space<hbm>>
      tpu.enqueue_indirect_dma source(%dma_start3A_32 : memref<10000x128xf32, #tpu.memory_space<hbm>>) target(%dma_start3A_26 : memref<128x128xf32, #tpu.memory_space<vmem>>) offsets(%dma_start3A_29 : memref<128xi32, #tpu.memory_space<vmem>>) semaphore(%arg7 : memref<!tpu.dma_semaphore, #tpu.memory_space<semaphore_mem>>)
      %dma_start3A_33 = arith.constant 2 : i32
      %dma_start3A_34 = arith.constant 256 : i32
      %dma_start3A_35 = arith.constant 0 : i32
      %dma_start3A_36 = tpu.memref_slice %arg6[%dma_start3A_34, %dma_start3A_35] : memref<512x128xf32, #tpu.memory_space<vmem>> -> memref<128x128xf32, #tpu.memory_space<vmem>>
      %dma_start3A_37 = arith.constant 0 : i32
      %dma_start3A_38 = tpu.memref_slice %arg5[%dma_start3A_33, %dma_start3A_37] : memref<4x128xi32, #tpu.memory_space<vmem>> -> memref<1x128xi32, #tpu.memory_space<vmem>>
      %dma_start3A_39 = tpu.memref_squeeze %dma_start3A_38 : memref<1x128xi32, #tpu.memory_space<vmem>> -> memref<128xi32, #tpu.memory_space<vmem>>
      %dma_start3A_40 = arith.constant 0 : i32
      %dma_start3A_41 = arith.constant 0 : i32
      %dma_start3A_42 = tpu.memref_slice %arg2[%dma_start3A_40, %dma_start3A_41] : memref<10000x128xf32, #tpu.memory_space<hbm>> -> memref<10000x128xf32, #tpu.memory_space<hbm>>
      tpu.enqueue_indirect_dma source(%dma_start3A_42 : memref<10000x128xf32, #tpu.memory_space<hbm>>) target(%dma_start3A_36 : memref<128x128xf32, #tpu.memory_space<vmem>>) offsets(%dma_start3A_39 : memref<128xi32, #tpu.memory_space<vmem>>) semaphore(%arg7 : memref<!tpu.dma_semaphore, #tpu.memory_space<semaphore_mem>>)
      %dma_start3A_43 = arith.constant 3 : i32
      %dma_start3A_44 = arith.constant 384 : i32
      %dma_start3A_45 = arith.constant 0 : i32
      %dma_start3A_46 = tpu.memref_slice %arg6[%dma_start3A_44, %dma_start3A_45] : memref<512x128xf32, #tpu.memory_space<vmem>> -> memref<128x128xf32, #tpu.memory_space<vmem>>
      %dma_start3A_47 = arith.constant 0 : i32
      %dma_start3A_48 = tpu.memref_slice %arg5[%dma_start3A_43, %dma_start3A_47] : memref<4x128xi32, #tpu.memory_space<vmem>> -> memref<1x128xi32, #tpu.memory_space<vmem>>
      %dma_start3A_49 = tpu.memref_squeeze %dma_start3A_48 : memref<1x128xi32, #tpu.memory_space<vmem>> -> memref<128xi32, #tpu.memory_space<vmem>>
      %dma_start3A_50 = arith.constant 0 : i32
      %dma_start3A_51 = arith.constant 0 : i32
      %dma_start3A_52 = tpu.memref_slice %arg2[%dma_start3A_50, %dma_start3A_51] : memref<10000x128xf32, #tpu.memory_space<hbm>> -> memref<10000x128xf32, #tpu.memory_space<hbm>>
      tpu.enqueue_indirect_dma source(%dma_start3A_52 : memref<10000x128xf32, #tpu.memory_space<hbm>>) target(%dma_start3A_46 : memref<128x128xf32, #tpu.memory_space<vmem>>) offsets(%dma_start3A_49 : memref<128xi32, #tpu.memory_space<vmem>>) semaphore(%arg7 : memref<!tpu.dma_semaphore, #tpu.memory_space<semaphore_mem>>)
      %dma_wait3A = arith.constant 0 : i32
      %dma_wait3A_53 = arith.constant 0 : i32
      %dma_wait3A_54 = arith.constant 0 : i32
      %dma_wait3A_55 = tpu.memref_slice %arg6[%dma_wait3A_53, %dma_wait3A_54] : memref<512x128xf32, #tpu.memory_space<vmem>> -> memref<128x128xf32, #tpu.memory_space<vmem>>
      %dma_wait3A_56 = arith.constant 0 : i32
      %dma_wait3A_57 = tpu.memref_slice %arg5[%dma_wait3A, %dma_wait3A_56] : memref<4x128xi32, #tpu.memory_space<vmem>> -> memref<1x128xi32, #tpu.memory_space<vmem>>
      %dma_wait3A_58 = tpu.memref_squeeze %dma_wait3A_57 : memref<1x128xi32, #tpu.memory_space<vmem>> -> memref<128xi32, #tpu.memory_space<vmem>>
      %dma_wait3A_59 = arith.constant 0 : i32
      %dma_wait3A_60 = arith.constant 0 : i32
      %dma_wait3A_61 = tpu.memref_slice %arg2[%dma_wait3A_59, %dma_wait3A_60] : memref<10000x128xf32, #tpu.memory_space<hbm>> -> memref<10000x128xf32, #tpu.memory_space<hbm>>
      tpu.wait_indirect_dma semaphore(%arg7 : memref<!tpu.dma_semaphore, #tpu.memory_space<semaphore_mem>>) src(%dma_wait3A_61 : memref<10000x128xf32, #tpu.memory_space<hbm>>) dst(%dma_wait3A_55 : memref<128x128xf32, #tpu.memory_space<vmem>>)
      %dma_wait3A_62 = arith.constant 1 : i32
      %dma_wait3A_63 = arith.constant 128 : i32
      %dma_wait3A_64 = arith.constant 0 : i32
      %dma_wait3A_65 = tpu.memref_slice %arg6[%dma_wait3A_63, %dma_wait3A_64] : memref<512x128xf32, #tpu.memory_space<vmem>> -> memref<128x128xf32, #tpu.memory_space<vmem>>
      %dma_wait3A_66 = arith.constant 0 : i32
      %dma_wait3A_67 = tpu.memref_slice %arg5[%dma_wait3A_62, %dma_wait3A_66] : memref<4x128xi32, #tpu.memory_space<vmem>> -> memref<1x128xi32, #tpu.memory_space<vmem>>
      %dma_wait3A_68 = tpu.memref_squeeze %dma_wait3A_67 : memref<1x128xi32, #tpu.memory_space<vmem>> -> memref<128xi32, #tpu.memory_space<vmem>>
      %dma_wait3A_69 = arith.constant 0 : i32
      %dma_wait3A_70 = arith.constant 0 : i32
      %dma_wait3A_71 = tpu.memref_slice %arg2[%dma_wait3A_69, %dma_wait3A_70] : memref<10000x128xf32, #tpu.memory_space<hbm>> -> memref<10000x128xf32, #tpu.memory_space<hbm>>
      tpu.wait_indirect_dma semaphore(%arg7 : memref<!tpu.dma_semaphore, #tpu.memory_space<semaphore_mem>>) src(%dma_wait3A_71 : memref<10000x128xf32, #tpu.memory_space<hbm>>) dst(%dma_wait3A_65 : memref<128x128xf32, #tpu.memory_space<vmem>>)
      %dma_wait3A_72 = arith.constant 2 : i32
      %dma_wait3A_73 = arith.constant 256 : i32
      %dma_wait3A_74 = arith.constant 0 : i32
      %dma_wait3A_75 = tpu.memref_slice %arg6[%dma_wait3A_73, %dma_wait3A_74] : memref<512x128xf32, #tpu.memory_space<vmem>> -> memref<128x128xf32, #tpu.memory_space<vmem>>
      %dma_wait3A_76 = arith.constant 0 : i32
      %dma_wait3A_77 = tpu.memref_slice %arg5[%dma_wait3A_72, %dma_wait3A_76] : memref<4x128xi32, #tpu.memory_space<vmem>> -> memref<1x128xi32, #tpu.memory_space<vmem>>
      %dma_wait3A_78 = tpu.memref_squeeze %dma_wait3A_77 : memref<1x128xi32, #tpu.memory_space<vmem>> -> memref<128xi32, #tpu.memory_space<vmem>>
      %dma_wait3A_79 = arith.constant 0 : i32
      %dma_wait3A_80 = arith.constant 0 : i32
      %dma_wait3A_81 = tpu.memref_slice %arg2[%dma_wait3A_79, %dma_wait3A_80] : memref<10000x128xf32, #tpu.memory_space<hbm>> -> memref<10000x128xf32, #tpu.memory_space<hbm>>
      tpu.wait_indirect_dma semaphore(%arg7 : memref<!tpu.dma_semaphore, #tpu.memory_space<semaphore_mem>>) src(%dma_wait3A_81 : memref<10000x128xf32, #tpu.memory_space<hbm>>) dst(%dma_wait3A_75 : memref<128x128xf32, #tpu.memory_space<vmem>>)
      %dma_wait3A_82 = arith.constant 3 : i32
      %dma_wait3A_83 = arith.constant 384 : i32
      %dma_wait3A_84 = arith.constant 0 : i32
      %dma_wait3A_85 = tpu.memref_slice %arg6[%dma_wait3A_83, %dma_wait3A_84] : memref<512x128xf32, #tpu.memory_space<vmem>> -> memref<128x128xf32, #tpu.memory_space<vmem>>
      %dma_wait3A_86 = arith.constant 0 : i32
      %dma_wait3A_87 = tpu.memref_slice %arg5[%dma_wait3A_82, %dma_wait3A_86] : memref<4x128xi32, #tpu.memory_space<vmem>> -> memref<1x128xi32, #tpu.memory_space<vmem>>
      %dma_wait3A_88 = tpu.memref_squeeze %dma_wait3A_87 : memref<1x128xi32, #tpu.memory_space<vmem>> -> memref<128xi32, #tpu.memory_space<vmem>>
      %dma_wait3A_89 = arith.constant 0 : i32
      %dma_wait3A_90 = arith.constant 0 : i32
      %dma_wait3A_91 = tpu.memref_slice %arg2[%dma_wait3A_89, %dma_wait3A_90] : memref<10000x128xf32, #tpu.memory_space<hbm>> -> memref<10000x128xf32, #tpu.memory_space<hbm>>
      tpu.wait_indirect_dma semaphore(%arg7 : memref<!tpu.dma_semaphore, #tpu.memory_space<semaphore_mem>>) src(%dma_wait3A_91 : memref<10000x128xf32, #tpu.memory_space<hbm>>) dst(%dma_wait3A_85 : memref<128x128xf32, #tpu.memory_space<vmem>>)
      %mul3A_92 = arith.constant 128 : i32
      %mul3A_93 = arith.muli %add3A_13, %mul3A_92 : i32
      "tpu.region"() ({
        %run_scoped3A = tpu.sem_alloc : memref<!tpu.dma_semaphore, #tpu.memory_space<semaphore_mem>>
        %dma_start3A_94 = arith.constant 0 : i32
        %dma_start3A_95 = tpu.memref_slice %arg4[%mul3A_93, %dma_start3A_94] : memref<327680x128xf32, #tpu.memory_space<hbm>> -> memref<512x128xf32, #tpu.memory_space<hbm>>
        %dma_start3A_96 = arith.constant 0 : i32
        %dma_start3A_97 = tpu.memref_slice %arg4[%mul3A_93, %dma_start3A_96] : memref<327680x128xf32, #tpu.memory_space<hbm>> -> memref<512x128xf32, #tpu.memory_space<hbm>>
        tpu.enqueue_dma source(%arg6 : memref<512x128xf32, #tpu.memory_space<vmem>>) target(%dma_start3A_97 : memref<512x128xf32, #tpu.memory_space<hbm>>) target_semaphore(%run_scoped3A : memref<!tpu.dma_semaphore, #tpu.memory_space<semaphore_mem>>)
        %dma_wait3A_98 = arith.constant 0 : i32
        %dma_wait3A_99 = tpu.memref_slice %arg4[%mul3A_93, %dma_wait3A_98] : memref<327680x128xf32, #tpu.memory_space<hbm>> -> memref<512x128xf32, #tpu.memory_space<hbm>>
        %dma_wait3A_100 = arith.constant 0 : i32
        %dma_wait3A_101 = tpu.memref_slice %arg4[%mul3A_93, %dma_wait3A_100] : memref<327680x128xf32, #tpu.memory_space<hbm>> -> memref<512x128xf32, #tpu.memory_space<hbm>>
        tpu.wait_dma2 semaphore(%run_scoped3A : memref<!tpu.dma_semaphore, #tpu.memory_space<semaphore_mem>>) src(%arg6 : memref<512x128xf32, #tpu.memory_space<vmem>>) dst(%dma_wait3A_101 : memref<512x128xf32, #tpu.memory_space<hbm>>)
        tpu.yield
      }) : () -> ()
    }
    %scan3A_9 = arith.constant 20 : i32
    return
  }
}

#map = affine_map<(d0, d1) -> (0, 0, 0)>
#map1 = affine_map<(d0, d1) -> (0, 0)>
module attributes {stable_mosaic.version = 14 : i64} {
  func.func @_sc_scatter_body(%arg0: i32, %arg1: i32, %arg2: memref<2x327680x144xf32, #tpu.memory_space<hbm>>, %arg3: memref<2560x128xi32, #tpu.memory_space<hbm>>, %arg4: memref<632x144xf32, #tpu.memory_space<hbm>>, %arg5: memref<2x10112x144xf32, #tpu.memory_space<hbm>>, %arg6: memref<2x128xi32, #tpu.memory_space<vmem>>, %arg7: memref<2x128x144xf32, #tpu.memory_space<vmem>>, %arg8: memref<2x!tpu.dma_semaphore, #tpu.memory_space<semaphore_mem>>, %arg9: memref<10112x144xf32, #tpu.memory_space<vmem_shared>>) attributes {dimension_semantics = [#tpu.dimension_semantics<core_parallel>, #tpu.dimension_semantics<subcore_parallel>], iteration_bounds = array<i64: 2, 16>, scalar_prefetch = 0 : i64, scratch_operands = 4 : i64, tpu.core_type = #tpu.core_type<sc_vector_subcore>, window_params = [{transform_indices = #map}, {transform_indices = #map1}, {transform_indices = #map1}, {transform_indices = #map}]} {
    %mul3A = arith.constant 632 : i32
    %mul3A_0 = arith.muli %arg1, %mul3A : i32
    "tpu.region"() ({
      %run_scoped3A = tpu.sem_alloc : memref<!tpu.dma_semaphore, #tpu.memory_space<semaphore_mem>>
      %dma_start3A_49 = arith.constant 0 : i32
      %dma_start3A_50 = tpu.memref_slice %arg9[%mul3A_0, %dma_start3A_49] : memref<10112x144xf32, #tpu.memory_space<vmem_shared>> -> memref<632x144xf32, #tpu.memory_space<vmem_shared>>
      tpu.enqueue_dma source(%arg4 : memref<632x144xf32, #tpu.memory_space<hbm>>) target(%dma_start3A_50 : memref<632x144xf32, #tpu.memory_space<vmem_shared>>) target_semaphore(%run_scoped3A : memref<!tpu.dma_semaphore, #tpu.memory_space<semaphore_mem>>)
      %dma_wait3A = arith.constant 0 : i32
      %dma_wait3A_51 = tpu.memref_slice %arg9[%mul3A_0, %dma_wait3A] : memref<10112x144xf32, #tpu.memory_space<vmem_shared>> -> memref<632x144xf32, #tpu.memory_space<vmem_shared>>
      tpu.wait_dma2 semaphore(%run_scoped3A : memref<!tpu.dma_semaphore, #tpu.memory_space<semaphore_mem>>) src(%arg4 : memref<632x144xf32, #tpu.memory_space<hbm>>) dst(%dma_wait3A_51 : memref<632x144xf32, #tpu.memory_space<vmem_shared>>)
      tpu.yield
    }) : () -> ()
    %barrier3A = arith.constant 0 : index
    tpu.barrier barrier_id(%barrier3A)
    %mul3A_1 = arith.constant 160 : i32
    %mul3A_2 = arith.muli %arg1, %mul3A_1 : i32
    %add3A = arith.constant 0 : i32
    %add3A_3 = arith.addi %mul3A_2, %add3A : i32
    %dma_start3A = arith.constant 0 : i32
    %dma_start3A_4 = arith.constant 0 : i32
    %dma_start3A_5 = arith.constant 0 : i32
    %dma_start3A_6 = tpu.memref_slice %arg6[%dma_start3A, %dma_start3A_5] : memref<2x128xi32, #tpu.memory_space<vmem>> -> memref<1x128xi32, #tpu.memory_space<vmem>>
    %dma_start3A_7 = tpu.memref_squeeze %dma_start3A_6 : memref<1x128xi32, #tpu.memory_space<vmem>> -> memref<128xi32, #tpu.memory_space<vmem>>
    %dma_start3A_8 = arith.constant 0 : i32
    %dma_start3A_9 = tpu.memref_slice %arg3[%add3A_3, %dma_start3A_8] : memref<2560x128xi32, #tpu.memory_space<hbm>> -> memref<1x128xi32, #tpu.memory_space<hbm>>
    %dma_start3A_10 = tpu.memref_squeeze %dma_start3A_9 : memref<1x128xi32, #tpu.memory_space<hbm>> -> memref<128xi32, #tpu.memory_space<hbm>>
    %dma_start3A_11 = tpu.memref_slice %arg8[%dma_start3A_4] : memref<2x!tpu.dma_semaphore, #tpu.memory_space<semaphore_mem>> -> memref<1x!tpu.dma_semaphore, #tpu.memory_space<semaphore_mem>>
    %dma_start3A_12 = tpu.memref_squeeze %dma_start3A_11 : memref<1x!tpu.dma_semaphore, #tpu.memory_space<semaphore_mem>> -> memref<!tpu.dma_semaphore, #tpu.memory_space<semaphore_mem>>
    %dma_start3A_13 = arith.constant 0 : i32
    %dma_start3A_14 = tpu.memref_slice %arg6[%dma_start3A, %dma_start3A_13] : memref<2x128xi32, #tpu.memory_space<vmem>> -> memref<1x128xi32, #tpu.memory_space<vmem>>
    %dma_start3A_15 = tpu.memref_squeeze %dma_start3A_14 : memref<1x128xi32, #tpu.memory_space<vmem>> -> memref<128xi32, #tpu.memory_space<vmem>>
    %dma_start3A_16 = arith.constant 0 : i32
    %dma_start3A_17 = tpu.memref_slice %arg3[%add3A_3, %dma_start3A_16] : memref<2560x128xi32, #tpu.memory_space<hbm>> -> memref<1x128xi32, #tpu.memory_space<hbm>>
    %dma_start3A_18 = tpu.memref_squeeze %dma_start3A_17 : memref<1x128xi32, #tpu.memory_space<hbm>> -> memref<128xi32, #tpu.memory_space<hbm>>
    tpu.enqueue_dma source(%dma_start3A_18 : memref<128xi32, #tpu.memory_space<hbm>>) target(%dma_start3A_15 : memref<128xi32, #tpu.memory_space<vmem>>) target_semaphore(%dma_start3A_12 : memref<!tpu.dma_semaphore, #tpu.memory_space<semaphore_mem>>)
    %mul3A_19 = arith.constant 128 : i32
    %mul3A_20 = arith.muli %add3A_3, %mul3A_19 : i32
    %dma_start3A_21 = arith.constant 0 : i32
    %dma_start3A_22 = arith.constant 0 : i32
    %dma_start3A_23 = arith.constant 0 : i32
    %dma_start3A_24 = arith.constant 0 : i32
    %dma_start3A_25 = tpu.memref_slice %arg7[%dma_start3A_21, %dma_start3A_23, %dma_start3A_24] : memref<2x128x144xf32, #tpu.memory_space<vmem>> -> memref<1x128x144xf32, #tpu.memory_space<vmem>>
    %dma_start3A_26 = tpu.memref_squeeze %dma_start3A_25 : memref<1x128x144xf32, #tpu.memory_space<vmem>> -> memref<128x144xf32, #tpu.memory_space<vmem>>
    %dma_start3A_27 = arith.constant 0 : i32
    %dma_start3A_28 = tpu.memref_slice %arg2[%arg0, %mul3A_20, %dma_start3A_27] : memref<2x327680x144xf32, #tpu.memory_space<hbm>> -> memref<1x128x144xf32, #tpu.memory_space<hbm>>
    %dma_start3A_29 = tpu.memref_squeeze %dma_start3A_28 : memref<1x128x144xf32, #tpu.memory_space<hbm>> -> memref<128x144xf32, #tpu.memory_space<hbm>>
    %dma_start3A_30 = tpu.memref_slice %arg8[%dma_start3A_22] : memref<2x!tpu.dma_semaphore, #tpu.memory_space<semaphore_mem>> -> memref<1x!tpu.dma_semaphore, #tpu.memory_space<semaphore_mem>>
    %dma_start3A_31 = tpu.memref_squeeze %dma_start3A_30 : memref<1x!tpu.dma_semaphore, #tpu.memory_space<semaphore_mem>> -> memref<!tpu.dma_semaphore, #tpu.memory_space<semaphore_mem>>
    %dma_start3A_32 = arith.constant 0 : i32
    %dma_start3A_33 = arith.constant 0 : i32
    %dma_start3A_34 = tpu.memref_slice %arg7[%dma_start3A_21, %dma_start3A_32, %dma_start3A_33] : memref<2x128x144xf32, #tpu.memory_space<vmem>> -> memref<1x128x144xf32, #tpu.memory_space<vmem>>
    %dma_start3A_35 = tpu.memref_squeeze %dma_start3A_34 : memref<1x128x144xf32, #tpu.memory_space<vmem>> -> memref<128x144xf32, #tpu.memory_space<vmem>>
    %dma_start3A_36 = arith.constant 0 : i32
    %dma_start3A_37 = tpu.memref_slice %arg2[%arg0, %mul3A_20, %dma_start3A_36] : memref<2x327680x144xf32, #tpu.memory_space<hbm>> -> memref<1x128x144xf32, #tpu.memory_space<hbm>>
    %dma_start3A_38 = tpu.memref_squeeze %dma_start3A_37 : memref<1x128x144xf32, #tpu.memory_space<hbm>> -> memref<128x144xf32, #tpu.memory_space<hbm>>
    tpu.enqueue_dma source(%dma_start3A_38 : memref<128x144xf32, #tpu.memory_space<hbm>>) target(%dma_start3A_35 : memref<128x144xf32, #tpu.memory_space<vmem>>) target_semaphore(%dma_start3A_31 : memref<!tpu.dma_semaphore, #tpu.memory_space<semaphore_mem>>)
    %scan3A = arith.constant 0 : i32
    %scan3A_39 = arith.constant 0 : i32
    %scan3A_40 = arith.constant 160 : i32
    %scan3A_41 = arith.addi %scan3A_39, %scan3A_40 : i32
    %scan3A_42 = arith.constant 1 : i32
    scf.for %scan3A_49 = %scan3A_39 to %scan3A_41 step %scan3A_42  : i32 {
      %rem3A = arith.constant 2 : i32
      %rem3A_50 = arith.remsi %scan3A_49, %rem3A : i32
      %mul3A_51 = arith.constant 160 : i32
      %mul3A_52 = arith.muli %arg1, %mul3A_51 : i32
      %add3A_53 = arith.addi %mul3A_52, %scan3A_49 : i32
      %dma_wait3A = arith.constant 0 : i32
      %dma_wait3A_54 = tpu.memref_slice %arg6[%rem3A_50, %dma_wait3A] : memref<2x128xi32, #tpu.memory_space<vmem>> -> memref<1x128xi32, #tpu.memory_space<vmem>>
      %dma_wait3A_55 = tpu.memref_squeeze %dma_wait3A_54 : memref<1x128xi32, #tpu.memory_space<vmem>> -> memref<128xi32, #tpu.memory_space<vmem>>
      %dma_wait3A_56 = arith.constant 0 : i32
      %dma_wait3A_57 = tpu.memref_slice %arg3[%add3A_53, %dma_wait3A_56] : memref<2560x128xi32, #tpu.memory_space<hbm>> -> memref<1x128xi32, #tpu.memory_space<hbm>>
      %dma_wait3A_58 = tpu.memref_squeeze %dma_wait3A_57 : memref<1x128xi32, #tpu.memory_space<hbm>> -> memref<128xi32, #tpu.memory_space<hbm>>
      %dma_wait3A_59 = tpu.memref_slice %arg8[%rem3A_50] : memref<2x!tpu.dma_semaphore, #tpu.memory_space<semaphore_mem>> -> memref<1x!tpu.dma_semaphore, #tpu.memory_space<semaphore_mem>>
      %dma_wait3A_60 = tpu.memref_squeeze %dma_wait3A_59 : memref<1x!tpu.dma_semaphore, #tpu.memory_space<semaphore_mem>> -> memref<!tpu.dma_semaphore, #tpu.memory_space<semaphore_mem>>
      %dma_wait3A_61 = arith.constant 0 : i32
      %dma_wait3A_62 = tpu.memref_slice %arg6[%rem3A_50, %dma_wait3A_61] : memref<2x128xi32, #tpu.memory_space<vmem>> -> memref<1x128xi32, #tpu.memory_space<vmem>>
      %dma_wait3A_63 = tpu.memref_squeeze %dma_wait3A_62 : memref<1x128xi32, #tpu.memory_space<vmem>> -> memref<128xi32, #tpu.memory_space<vmem>>
      %dma_wait3A_64 = arith.constant 0 : i32
      %dma_wait3A_65 = tpu.memref_slice %arg3[%add3A_53, %dma_wait3A_64] : memref<2560x128xi32, #tpu.memory_space<hbm>> -> memref<1x128xi32, #tpu.memory_space<hbm>>
      %dma_wait3A_66 = tpu.memref_squeeze %dma_wait3A_65 : memref<1x128xi32, #tpu.memory_space<hbm>> -> memref<128xi32, #tpu.memory_space<hbm>>
      tpu.wait_dma2 semaphore(%dma_wait3A_60 : memref<!tpu.dma_semaphore, #tpu.memory_space<semaphore_mem>>) src(%dma_wait3A_66 : memref<128xi32, #tpu.memory_space<hbm>>) dst(%dma_wait3A_63 : memref<128xi32, #tpu.memory_space<vmem>>)
      %mul3A_67 = arith.constant 128 : i32
      %mul3A_68 = arith.muli %add3A_53, %mul3A_67 : i32
      %dma_wait3A_69 = arith.constant 0 : i32
      %dma_wait3A_70 = arith.constant 0 : i32
      %dma_wait3A_71 = tpu.memref_slice %arg7[%rem3A_50, %dma_wait3A_69, %dma_wait3A_70] : memref<2x128x144xf32, #tpu.memory_space<vmem>> -> memref<1x128x144xf32, #tpu.memory_space<vmem>>
      %dma_wait3A_72 = tpu.memref_squeeze %dma_wait3A_71 : memref<1x128x144xf32, #tpu.memory_space<vmem>> -> memref<128x144xf32, #tpu.memory_space<vmem>>
      %dma_wait3A_73 = arith.constant 0 : i32
      %dma_wait3A_74 = tpu.memref_slice %arg2[%arg0, %mul3A_68, %dma_wait3A_73] : memref<2x327680x144xf32, #tpu.memory_space<hbm>> -> memref<1x128x144xf32, #tpu.memory_space<hbm>>
      %dma_wait3A_75 = tpu.memref_squeeze %dma_wait3A_74 : memref<1x128x144xf32, #tpu.memory_space<hbm>> -> memref<128x144xf32, #tpu.memory_space<hbm>>
      %dma_wait3A_76 = tpu.memref_slice %arg8[%rem3A_50] : memref<2x!tpu.dma_semaphore, #tpu.memory_space<semaphore_mem>> -> memref<1x!tpu.dma_semaphore, #tpu.memory_space<semaphore_mem>>
      %dma_wait3A_77 = tpu.memref_squeeze %dma_wait3A_76 : memref<1x!tpu.dma_semaphore, #tpu.memory_space<semaphore_mem>> -> memref<!tpu.dma_semaphore, #tpu.memory_space<semaphore_mem>>
      %dma_wait3A_78 = arith.constant 0 : i32
      %dma_wait3A_79 = arith.constant 0 : i32
      %dma_wait3A_80 = tpu.memref_slice %arg7[%rem3A_50, %dma_wait3A_78, %dma_wait3A_79] : memref<2x128x144xf32, #tpu.memory_space<vmem>> -> memref<1x128x144xf32, #tpu.memory_space<vmem>>
      %dma_wait3A_81 = tpu.memref_squeeze %dma_wait3A_80 : memref<1x128x144xf32, #tpu.memory_space<vmem>> -> memref<128x144xf32, #tpu.memory_space<vmem>>
      %dma_wait3A_82 = arith.constant 0 : i32
      %dma_wait3A_83 = tpu.memref_slice %arg2[%arg0, %mul3A_68, %dma_wait3A_82] : memref<2x327680x144xf32, #tpu.memory_space<hbm>> -> memref<1x128x144xf32, #tpu.memory_space<hbm>>
      %dma_wait3A_84 = tpu.memref_squeeze %dma_wait3A_83 : memref<1x128x144xf32, #tpu.memory_space<hbm>> -> memref<128x144xf32, #tpu.memory_space<hbm>>
      tpu.wait_dma2 semaphore(%dma_wait3A_77 : memref<!tpu.dma_semaphore, #tpu.memory_space<semaphore_mem>>) src(%dma_wait3A_84 : memref<128x144xf32, #tpu.memory_space<hbm>>) dst(%dma_wait3A_81 : memref<128x144xf32, #tpu.memory_space<vmem>>)
      %add3A_85 = arith.constant 1 : i32
      %add3A_86 = arith.addi %scan3A_49, %add3A_85 : i32
      %lt3A = arith.constant 160 : i32
      %lt3A_87 = arith.cmpi slt, %add3A_86, %lt3A : i32
      %convert_element_type3A = arith.extui %lt3A_87 : i1 to i32
      %cond3A = arith.constant 0 : i32
      %cond3A_88 = arith.cmpi ne, %convert_element_type3A, %cond3A : i32
      scf.if %cond3A_88 {
        %add3A_89 = arith.constant 1 : i32
        %add3A_90 = arith.addi %scan3A_49, %add3A_89 : i32
        %sub3A = arith.constant 1 : i32
        %sub3A_91 = arith.subi %sub3A, %rem3A_50 : i32
        %mul3A_92 = arith.constant 160 : i32
        %mul3A_93 = arith.muli %arg1, %mul3A_92 : i32
        %add3A_94 = arith.addi %mul3A_93, %add3A_90 : i32
        %dma_start3A_95 = arith.constant 0 : i32
        %dma_start3A_96 = tpu.memref_slice %arg6[%sub3A_91, %dma_start3A_95] : memref<2x128xi32, #tpu.memory_space<vmem>> -> memref<1x128xi32, #tpu.memory_space<vmem>>
        %dma_start3A_97 = tpu.memref_squeeze %dma_start3A_96 : memref<1x128xi32, #tpu.memory_space<vmem>> -> memref<128xi32, #tpu.memory_space<vmem>>
        %dma_start3A_98 = arith.constant 0 : i32
        %dma_start3A_99 = tpu.memref_slice %arg3[%add3A_94, %dma_start3A_98] : memref<2560x128xi32, #tpu.memory_space<hbm>> -> memref<1x128xi32, #tpu.memory_space<hbm>>
        %dma_start3A_100 = tpu.memref_squeeze %dma_start3A_99 : memref<1x128xi32, #tpu.memory_space<hbm>> -> memref<128xi32, #tpu.memory_space<hbm>>
        %dma_start3A_101 = tpu.memref_slice %arg8[%sub3A_91] : memref<2x!tpu.dma_semaphore, #tpu.memory_space<semaphore_mem>> -> memref<1x!tpu.dma_semaphore, #tpu.memory_space<semaphore_mem>>
        %dma_start3A_102 = tpu.memref_squeeze %dma_start3A_101 : memref<1x!tpu.dma_semaphore, #tpu.memory_space<semaphore_mem>> -> memref<!tpu.dma_semaphore, #tpu.memory_space<semaphore_mem>>
        %dma_start3A_103 = arith.constant 0 : i32
        %dma_start3A_104 = tpu.memref_slice %arg6[%sub3A_91, %dma_start3A_103] : memref<2x128xi32, #tpu.memory_space<vmem>> -> memref<1x128xi32, #tpu.memory_space<vmem>>
        %dma_start3A_105 = tpu.memref_squeeze %dma_start3A_104 : memref<1x128xi32, #tpu.memory_space<vmem>> -> memref<128xi32, #tpu.memory_space<vmem>>
        %dma_start3A_106 = arith.constant 0 : i32
        %dma_start3A_107 = tpu.memref_slice %arg3[%add3A_94, %dma_start3A_106] : memref<2560x128xi32, #tpu.memory_space<hbm>> -> memref<1x128xi32, #tpu.memory_space<hbm>>
        %dma_start3A_108 = tpu.memref_squeeze %dma_start3A_107 : memref<1x128xi32, #tpu.memory_space<hbm>> -> memref<128xi32, #tpu.memory_space<hbm>>
        tpu.enqueue_dma source(%dma_start3A_108 : memref<128xi32, #tpu.memory_space<hbm>>) target(%dma_start3A_105 : memref<128xi32, #tpu.memory_space<vmem>>) target_semaphore(%dma_start3A_102 : memref<!tpu.dma_semaphore, #tpu.memory_space<semaphore_mem>>)
        %mul3A_109 = arith.constant 128 : i32
        %mul3A_110 = arith.muli %add3A_94, %mul3A_109 : i32
        %dma_start3A_111 = arith.constant 0 : i32
        %dma_start3A_112 = arith.constant 0 : i32
        %dma_start3A_113 = tpu.memref_slice %arg7[%sub3A_91, %dma_start3A_111, %dma_start3A_112] : memref<2x128x144xf32, #tpu.memory_space<vmem>> -> memref<1x128x144xf32, #tpu.memory_space<vmem>>
        %dma_start3A_114 = tpu.memref_squeeze %dma_start3A_113 : memref<1x128x144xf32, #tpu.memory_space<vmem>> -> memref<128x144xf32, #tpu.memory_space<vmem>>
        %dma_start3A_115 = arith.constant 0 : i32
        %dma_start3A_116 = tpu.memref_slice %arg2[%arg0, %mul3A_110, %dma_start3A_115] : memref<2x327680x144xf32, #tpu.memory_space<hbm>> -> memref<1x128x144xf32, #tpu.memory_space<hbm>>
        %dma_start3A_117 = tpu.memref_squeeze %dma_start3A_116 : memref<1x128x144xf32, #tpu.memory_space<hbm>> -> memref<128x144xf32, #tpu.memory_space<hbm>>
        %dma_start3A_118 = tpu.memref_slice %arg8[%sub3A_91] : memref<2x!tpu.dma_semaphore, #tpu.memory_space<semaphore_mem>> -> memref<1x!tpu.dma_semaphore, #tpu.memory_space<semaphore_mem>>
        %dma_start3A_119 = tpu.memref_squeeze %dma_start3A_118 : memref<1x!tpu.dma_semaphore, #tpu.memory_space<semaphore_mem>> -> memref<!tpu.dma_semaphore, #tpu.memory_space<semaphore_mem>>
        %dma_start3A_120 = arith.constant 0 : i32
        %dma_start3A_121 = arith.constant 0 : i32
        %dma_start3A_122 = tpu.memref_slice %arg7[%sub3A_91, %dma_start3A_120, %dma_start3A_121] : memref<2x128x144xf32, #tpu.memory_space<vmem>> -> memref<1x128x144xf32, #tpu.memory_space<vmem>>
        %dma_start3A_123 = tpu.memref_squeeze %dma_start3A_122 : memref<1x128x144xf32, #tpu.memory_space<vmem>> -> memref<128x144xf32, #tpu.memory_space<vmem>>
        %dma_start3A_124 = arith.constant 0 : i32
        %dma_start3A_125 = tpu.memref_slice %arg2[%arg0, %mul3A_110, %dma_start3A_124] : memref<2x327680x144xf32, #tpu.memory_space<hbm>> -> memref<1x128x144xf32, #tpu.memory_space<hbm>>
        %dma_start3A_126 = tpu.memref_squeeze %dma_start3A_125 : memref<1x128x144xf32, #tpu.memory_space<hbm>> -> memref<128x144xf32, #tpu.memory_space<hbm>>
        tpu.enqueue_dma source(%dma_start3A_126 : memref<128x144xf32, #tpu.memory_space<hbm>>) target(%dma_start3A_123 : memref<128x144xf32, #tpu.memory_space<vmem>>) target_semaphore(%dma_start3A_119 : memref<!tpu.dma_semaphore, #tpu.memory_space<semaphore_mem>>)
      } else {
      }
      "tpu.region"() ({
        %run_scoped3A = tpu.sem_alloc : memref<!tpu.dma_semaphore, #tpu.memory_space<semaphore_mem>>
        %dma_start3A_89 = arith.constant 0 : i32
        %dma_start3A_90 = arith.constant 0 : i32
        %dma_start3A_91 = tpu.memref_slice %arg7[%rem3A_50, %dma_start3A_89, %dma_start3A_90] : memref<2x128x144xf32, #tpu.memory_space<vmem>> -> memref<1x128x144xf32, #tpu.memory_space<vmem>>
        %dma_start3A_92 = tpu.memref_squeeze %dma_start3A_91 : memref<1x128x144xf32, #tpu.memory_space<vmem>> -> memref<128x144xf32, #tpu.memory_space<vmem>>
        %dma_start3A_93 = arith.constant 0 : i32
        %dma_start3A_94 = tpu.memref_slice %arg6[%rem3A_50, %dma_start3A_93] : memref<2x128xi32, #tpu.memory_space<vmem>> -> memref<1x128xi32, #tpu.memory_space<vmem>>
        %dma_start3A_95 = tpu.memref_squeeze %dma_start3A_94 : memref<1x128xi32, #tpu.memory_space<vmem>> -> memref<128xi32, #tpu.memory_space<vmem>>
        %dma_start3A_96 = arith.constant 0 : i32
        %dma_start3A_97 = arith.constant 0 : i32
        %dma_start3A_98 = tpu.memref_slice %arg9[%dma_start3A_96, %dma_start3A_97] : memref<10112x144xf32, #tpu.memory_space<vmem_shared>> -> memref<10112x144xf32, #tpu.memory_space<vmem_shared>>
        tpu.enqueue_indirect_dma source(%dma_start3A_92 : memref<128x144xf32, #tpu.memory_space<vmem>>) target(%dma_start3A_98 : memref<10112x144xf32, #tpu.memory_space<vmem_shared>>) offsets(%dma_start3A_95 : memref<128xi32, #tpu.memory_space<vmem>>) semaphore(%run_scoped3A : memref<!tpu.dma_semaphore, #tpu.memory_space<semaphore_mem>>) {add = true}
        %dma_wait3A_99 = arith.constant 0 : i32
        %dma_wait3A_100 = arith.constant 0 : i32
        %dma_wait3A_101 = tpu.memref_slice %arg7[%rem3A_50, %dma_wait3A_99, %dma_wait3A_100] : memref<2x128x144xf32, #tpu.memory_space<vmem>> -> memref<1x128x144xf32, #tpu.memory_space<vmem>>
        %dma_wait3A_102 = tpu.memref_squeeze %dma_wait3A_101 : memref<1x128x144xf32, #tpu.memory_space<vmem>> -> memref<128x144xf32, #tpu.memory_space<vmem>>
        %dma_wait3A_103 = arith.constant 0 : i32
        %dma_wait3A_104 = tpu.memref_slice %arg6[%rem3A_50, %dma_wait3A_103] : memref<2x128xi32, #tpu.memory_space<vmem>> -> memref<1x128xi32, #tpu.memory_space<vmem>>
        %dma_wait3A_105 = tpu.memref_squeeze %dma_wait3A_104 : memref<1x128xi32, #tpu.memory_space<vmem>> -> memref<128xi32, #tpu.memory_space<vmem>>
        %dma_wait3A_106 = arith.constant 0 : i32
        %dma_wait3A_107 = arith.constant 0 : i32
        %dma_wait3A_108 = tpu.memref_slice %arg9[%dma_wait3A_106, %dma_wait3A_107] : memref<10112x144xf32, #tpu.memory_space<vmem_shared>> -> memref<10112x144xf32, #tpu.memory_space<vmem_shared>>
        tpu.wait_indirect_dma semaphore(%run_scoped3A : memref<!tpu.dma_semaphore, #tpu.memory_space<semaphore_mem>>) src(%dma_wait3A_102 : memref<128x144xf32, #tpu.memory_space<vmem>>) dst(%dma_wait3A_108 : memref<10112x144xf32, #tpu.memory_space<vmem_shared>>)
        tpu.yield
      }) : () -> ()
    }
    %scan3A_43 = arith.constant 160 : i32
    %barrier3A_44 = arith.constant 0 : index
    tpu.barrier barrier_id(%barrier3A_44)
    %mul3A_45 = arith.constant 632 : i32
    %mul3A_46 = arith.muli %arg1, %mul3A_45 : i32
    %mul3A_47 = arith.constant 632 : i32
    %mul3A_48 = arith.muli %arg1, %mul3A_47 : i32
    "tpu.region"() ({
      %run_scoped3A = tpu.sem_alloc : memref<!tpu.dma_semaphore, #tpu.memory_space<semaphore_mem>>
      %dma_start3A_49 = arith.constant 0 : i32
      %dma_start3A_50 = tpu.memref_slice %arg5[%arg0, %mul3A_48, %dma_start3A_49] : memref<2x10112x144xf32, #tpu.memory_space<hbm>> -> memref<1x632x144xf32, #tpu.memory_space<hbm>>
      %dma_start3A_51 = tpu.memref_squeeze %dma_start3A_50 : memref<1x632x144xf32, #tpu.memory_space<hbm>> -> memref<632x144xf32, #tpu.memory_space<hbm>>
      %dma_start3A_52 = arith.constant 0 : i32
      %dma_start3A_53 = tpu.memref_slice %arg9[%mul3A_46, %dma_start3A_52] : memref<10112x144xf32, #tpu.memory_space<vmem_shared>> -> memref<632x144xf32, #tpu.memory_space<vmem_shared>>
      tpu.enqueue_dma source(%dma_start3A_53 : memref<632x144xf32, #tpu.memory_space<vmem_shared>>) target(%dma_start3A_51 : memref<632x144xf32, #tpu.memory_space<hbm>>) target_semaphore(%run_scoped3A : memref<!tpu.dma_semaphore, #tpu.memory_space<semaphore_mem>>)
      %dma_wait3A = arith.constant 0 : i32
      %dma_wait3A_54 = tpu.memref_slice %arg5[%arg0, %mul3A_48, %dma_wait3A] : memref<2x10112x144xf32, #tpu.memory_space<hbm>> -> memref<1x632x144xf32, #tpu.memory_space<hbm>>
      %dma_wait3A_55 = tpu.memref_squeeze %dma_wait3A_54 : memref<1x632x144xf32, #tpu.memory_space<hbm>> -> memref<632x144xf32, #tpu.memory_space<hbm>>
      %dma_wait3A_56 = arith.constant 0 : i32
      %dma_wait3A_57 = tpu.memref_slice %arg9[%mul3A_46, %dma_wait3A_56] : memref<10112x144xf32, #tpu.memory_space<vmem_shared>> -> memref<632x144xf32, #tpu.memory_space<vmem_shared>>
      tpu.wait_dma2 semaphore(%run_scoped3A : memref<!tpu.dma_semaphore, #tpu.memory_space<semaphore_mem>>) src(%dma_wait3A_57 : memref<632x144xf32, #tpu.memory_space<vmem_shared>>) dst(%dma_wait3A_55 : memref<632x144xf32, #tpu.memory_space<hbm>>)
      tpu.yield
    }) : () -> ()
    return
  }
}

module attributes {stable_mosaic.version = 14 : i64} {
  func.func @_edge_kernel(%arg0: i32, %arg1: memref<4096x128xf32, #tpu.memory_space<vmem>>, %arg2: memref<4096x16xf32, #tpu.memory_space<vmem>>, %arg3: memref<128x256xf32, #tpu.memory_space<vmem>>, %arg4: memref<16x256xf32, #tpu.memory_space<vmem>>, %arg5: memref<1x256xf32, #tpu.memory_space<vmem>>, %arg6: memref<1x256xf32, #tpu.memory_space<vmem>>, %arg7: memref<1x256xf32, #tpu.memory_space<vmem>>, %arg8: memref<256x256xf32, #tpu.memory_space<vmem>>, %arg9: memref<1x256xf32, #tpu.memory_space<vmem>>, %arg10: memref<2x4096x144xf32, #tpu.memory_space<vmem>>) attributes {dimension_semantics = [#tpu.dimension_semantics<arbitrary>], iteration_bounds = array<i64: 80>, scalar_prefetch = 0 : i64, scratch_operands = 0 : i64, tpu.core_type = #tpu.core_type<tc>, window_params = [{transform_indices = @transform_0, window_bounds = array<i64: 4096, 128>}, {transform_indices = @transform_1, window_bounds = array<i64: 4096, 16>}, {pipeline_mode = #tpu.pipeline_mode<synchronous>, transform_indices = @transform_2, window_bounds = array<i64: 128, 256>}, {pipeline_mode = #tpu.pipeline_mode<synchronous>, transform_indices = @transform_3, window_bounds = array<i64: 16, 256>}, {pipeline_mode = #tpu.pipeline_mode<synchronous>, transform_indices = @transform_4, window_bounds = array<i64: 1, 256>}, {pipeline_mode = #tpu.pipeline_mode<synchronous>, transform_indices = @transform_5, window_bounds = array<i64: 1, 256>}, {pipeline_mode = #tpu.pipeline_mode<synchronous>, transform_indices = @transform_6, window_bounds = array<i64: 1, 256>}, {pipeline_mode = #tpu.pipeline_mode<synchronous>, transform_indices = @transform_7, window_bounds = array<i64: 256, 256>}, {pipeline_mode = #tpu.pipeline_mode<synchronous>, transform_indices = @transform_8, window_bounds = array<i64: 1, 256>}, {transform_indices = @transform_9, window_bounds = array<i64: 2, 4096, 144>}]} {
    %get3A = arith.constant 0 : index
    %get3A_0 = arith.constant 0 : index
    %get3A_1 = vector.load %arg1[%get3A, %get3A_0] : memref<4096x128xf32, #tpu.memory_space<vmem>>, vector<4096x128xf32>
    %get3A_2 = arith.constant 0 : index
    %get3A_3 = arith.constant 0 : index
    %get3A_4 = vector.load %arg3[%get3A_2, %get3A_3] : memref<128x256xf32, #tpu.memory_space<vmem>>, vector<128x256xf32>
    %dot_general3A = arith.constant dense<0.000000e+00> : vector<4096x256xf32>
    %dot_general3A_5 = tpu.matmul %get3A_1, %get3A_4, %dot_general3A {dimension_numbers = #tpu.dot_dimension_numbers<[1], [0], [0], [1], [0, 0, 1, 1], [], []>, transpose_lhs_hint = false} : vector<4096x128xf32>, vector<128x256xf32>, vector<4096x256xf32> -> vector<4096x256xf32>
    %get3A_6 = arith.constant 0 : index
    %get3A_7 = arith.constant 0 : index
    %get3A_8 = vector.load %arg2[%get3A_6, %get3A_7] : memref<4096x16xf32, #tpu.memory_space<vmem>>, vector<4096x16xf32>
    %get3A_9 = arith.constant 0 : index
    %get3A_10 = arith.constant 0 : index
    %get3A_11 = vector.load %arg4[%get3A_9, %get3A_10] : memref<16x256xf32, #tpu.memory_space<vmem>>, vector<16x256xf32>
    %dot_general3A_12 = arith.constant dense<0.000000e+00> : vector<4096x256xf32>
    %dot_general3A_13 = tpu.matmul %get3A_8, %get3A_11, %dot_general3A_12 {dimension_numbers = #tpu.dot_dimension_numbers<[1], [0], [0], [1], [0, 0, 1, 1], [], []>, transpose_lhs_hint = false} : vector<4096x16xf32>, vector<16x256xf32>, vector<4096x256xf32> -> vector<4096x256xf32>
    %add3A = arith.addf %dot_general3A_5, %dot_general3A_13 : vector<4096x256xf32>
    %get3A_14 = arith.constant 0 : index
    %get3A_15 = arith.constant 0 : index
    %get3A_16 = vector.load %arg5[%get3A_14, %get3A_15] : memref<1x256xf32, #tpu.memory_space<vmem>>, vector<1x256xf32>
    %add3A_17 = vector.broadcast %get3A_16 : vector<1x256xf32> to vector<4096x256xf32>
    %add3A_18 = arith.addf %add3A, %add3A_17 : vector<4096x256xf32>
    %ge3A = arith.constant 0.000000e+00 : f32
    %ge3A_19 = vector.broadcast %ge3A : f32 to vector<4096x256xf32>
    %ge3A_20 = arith.cmpf oge, %add3A_18, %ge3A_19 : vector<4096x256xf32>
    %mul3A = arith.constant 0.00999999977 : f32
    %mul3A_21 = vector.broadcast %mul3A : f32 to vector<4096x256xf32>
    %mul3A_22 = arith.mulf %mul3A_21, %add3A_18 : vector<4096x256xf32>
    %select_n3A = arith.select %ge3A_20, %add3A_18, %mul3A_22 : vector<4096x256xi1>, vector<4096x256xf32>
    %get3A_23 = arith.constant 0 : index
    %get3A_24 = arith.constant 0 : index
    %get3A_25 = vector.load %arg6[%get3A_23, %get3A_24] : memref<1x256xf32, #tpu.memory_space<vmem>>, vector<1x256xf32>
    %get3A_26 = arith.constant 0 : index
    %get3A_27 = arith.constant 0 : index
    %get3A_28 = vector.load %arg7[%get3A_26, %get3A_27] : memref<1x256xf32, #tpu.memory_space<vmem>>, vector<1x256xf32>
    %reduce_sum3A = arith.constant dense<0.000000e+00> : vector<4096xf32>
    %reduce_sum3A_29 = vector.multi_reduction <add>, %select_n3A, %reduce_sum3A [1] : vector<4096x256xf32> to vector<4096xf32>
    %broadcast_in_dim3A = vector.shape_cast %reduce_sum3A_29 : vector<4096xf32> to vector<4096x1xf32>
    %div3A = arith.constant 2.560000e+02 : f32
    %div3A_30 = vector.broadcast %div3A : f32 to vector<4096x1xf32>
    %div3A_31 = arith.divf %broadcast_in_dim3A, %div3A_30 : vector<4096x1xf32>
    %sub3A = vector.broadcast %div3A_31 : vector<4096x1xf32> to vector<4096x256xf32>
    %sub3A_32 = arith.subf %select_n3A, %sub3A : vector<4096x256xf32>
    %integer_pow3A = arith.mulf %sub3A_32, %sub3A_32 : vector<4096x256xf32>
    %reduce_sum3A_33 = arith.constant dense<0.000000e+00> : vector<4096xf32>
    %reduce_sum3A_34 = vector.multi_reduction <add>, %integer_pow3A, %reduce_sum3A_33 [1] : vector<4096x256xf32> to vector<4096xf32>
    %broadcast_in_dim3A_35 = vector.shape_cast %reduce_sum3A_34 : vector<4096xf32> to vector<4096x1xf32>
    %div3A_36 = arith.constant 2.560000e+02 : f32
    %div3A_37 = vector.broadcast %div3A_36 : f32 to vector<4096x1xf32>
    %div3A_38 = arith.divf %broadcast_in_dim3A_35, %div3A_37 : vector<4096x1xf32>
    %sub3A_39 = vector.broadcast %div3A_31 : vector<4096x1xf32> to vector<4096x256xf32>
    %sub3A_40 = arith.subf %select_n3A, %sub3A_39 : vector<4096x256xf32>
    %add3A_41 = arith.constant 9.99999974E-6 : f32
    %add3A_42 = vector.broadcast %add3A_41 : f32 to vector<4096x1xf32>
    %add3A_43 = arith.addf %div3A_38, %add3A_42 : vector<4096x1xf32>
    %rsqrt3A = math.rsqrt %add3A_43 : vector<4096x1xf32>
    %mul3A_44 = vector.broadcast %rsqrt3A : vector<4096x1xf32> to vector<4096x256xf32>
    %mul3A_45 = arith.mulf %sub3A_40, %mul3A_44 : vector<4096x256xf32>
    %mul3A_46 = vector.broadcast %get3A_25 : vector<1x256xf32> to vector<4096x256xf32>
    %mul3A_47 = arith.mulf %mul3A_45, %mul3A_46 : vector<4096x256xf32>
    %add3A_48 = vector.broadcast %get3A_28 : vector<1x256xf32> to vector<4096x256xf32>
    %add3A_49 = arith.addf %mul3A_47, %add3A_48 : vector<4096x256xf32>
    %get3A_50 = arith.constant 0 : index
    %get3A_51 = arith.constant 0 : index
    %get3A_52 = vector.load %arg8[%get3A_50, %get3A_51] : memref<256x256xf32, #tpu.memory_space<vmem>>, vector<256x256xf32>
    %dot_general3A_53 = arith.constant dense<0.000000e+00> : vector<4096x256xf32>
    %dot_general3A_54 = tpu.matmul %add3A_49, %get3A_52, %dot_general3A_53 {dimension_numbers = #tpu.dot_dimension_numbers<[1], [0], [0], [1], [0, 0, 1, 1], [], []>, transpose_lhs_hint = false} : vector<4096x256xf32>, vector<256x256xf32>, vector<4096x256xf32> -> vector<4096x256xf32>
    %get3A_55 = arith.constant 0 : index
    %get3A_56 = arith.constant 0 : index
    %get3A_57 = vector.load %arg9[%get3A_55, %get3A_56] : memref<1x256xf32, #tpu.memory_space<vmem>>, vector<1x256xf32>
    %add3A_58 = vector.broadcast %get3A_57 : vector<1x256xf32> to vector<4096x256xf32>
    %add3A_59 = arith.addf %dot_general3A_54, %add3A_58 : vector<4096x256xf32>
    %slice3A = vector.extract_strided_slice %add3A_59 {offsets = [0, 0], sizes = [4096, 144], strides = [1, 1]} : vector<4096x256xf32> to vector<4096x144xf32>
    %swap3A = arith.constant 0 : index
    %swap3A_60 = arith.constant 0 : index
    %swap3A_61 = arith.constant 0 : index
    %swap3A_62 = vector.load %arg10[%swap3A, %swap3A_60, %swap3A_61] : memref<2x4096x144xf32, #tpu.memory_space<vmem>>, vector<1x4096x144xf32>
    %swap3A_63 = vector.shape_cast %swap3A_62 : vector<1x4096x144xf32> to vector<4096x144xf32>
    %swap3A_64 = vector.shape_cast %slice3A : vector<4096x144xf32> to vector<1x4096x144xf32>
    tpu.vector_store %arg10[%swap3A, %swap3A_60, %swap3A_61], %swap3A_64 {strides = array<i32>} : memref<2x4096x144xf32, #tpu.memory_space<vmem>>, vector<1x4096x144xf32>,
    %slice3A_65 = vector.extract_strided_slice %add3A_59 {offsets = [0, 144], sizes = [4096, 112], strides = [1, 1]} : vector<4096x256xf32> to vector<4096x112xf32>
    %broadcast_in_dim3A_66 = arith.constant 1.000000e+00 : f32
    %broadcast_in_dim3A_67 = vector.broadcast %broadcast_in_dim3A_66 : f32 to vector<4096x32xf32>
    %concatenate3A = tpu.concatenate %slice3A_65, %broadcast_in_dim3A_67 in 1 : vector<4096x112xf32>, vector<4096x32xf32> -> vector<4096x144xf32>
    %swap3A_68 = arith.constant 1 : index
    %swap3A_69 = arith.constant 0 : index
    %swap3A_70 = arith.constant 0 : index
    %swap3A_71 = vector.load %arg10[%swap3A_68, %swap3A_69, %swap3A_70] : memref<2x4096x144xf32, #tpu.memory_space<vmem>>, vector<1x4096x144xf32>
    %swap3A_72 = vector.shape_cast %swap3A_71 : vector<1x4096x144xf32> to vector<4096x144xf32>
    %swap3A_73 = vector.shape_cast %concatenate3A : vector<4096x144xf32> to vector<1x4096x144xf32>
    tpu.vector_store %arg10[%swap3A_68, %swap3A_69, %swap3A_70], %swap3A_73 {strides = array<i32>} : memref<2x4096x144xf32, #tpu.memory_space<vmem>>, vector<1x4096x144xf32>,
    return
  }
  func.func @transform_0(%arg0: i32) -> (i32, i32) {
    %c0_i32 = arith.constant 0 : i32
    %c0_i32_0 = arith.constant 0 : i32
    return %arg0, %c0_i32 : i32, i32
  }
  func.func @transform_1(%arg0: i32) -> (i32, i32) {
    %c0_i32 = arith.constant 0 : i32
    %c0_i32_0 = arith.constant 0 : i32
    return %arg0, %c0_i32 : i32, i32
  }
  func.func @transform_2(%arg0: i32) -> (i32, i32) {
    %c0_i32 = arith.constant 0 : i32
    %c0_i32_0 = arith.constant 0 : i32
    %c0_i32_1 = arith.constant 0 : i32
    return %c0_i32, %c0_i32_0 : i32, i32
  }
  func.func @transform_3(%arg0: i32) -> (i32, i32) {
    %c0_i32 = arith.constant 0 : i32
    %c0_i32_0 = arith.constant 0 : i32
    %c0_i32_1 = arith.constant 0 : i32
    return %c0_i32, %c0_i32_0 : i32, i32
  }
  func.func @transform_4(%arg0: i32) -> (i32, i32) {
    %c0_i32 = arith.constant 0 : i32
    %c0_i32_0 = arith.constant 0 : i32
    %c0_i32_1 = arith.constant 0 : i32
    return %c0_i32, %c0_i32_0 : i32, i32
  }
  func.func @transform_5(%arg0: i32) -> (i32, i32) {
    %c0_i32 = arith.constant 0 : i32
    %c0_i32_0 = arith.constant 0 : i32
    %c0_i32_1 = arith.constant 0 : i32
    return %c0_i32, %c0_i32_0 : i32, i32
  }
  func.func @transform_6(%arg0: i32) -> (i32, i32) {
    %c0_i32 = arith.constant 0 : i32
    %c0_i32_0 = arith.constant 0 : i32
    %c0_i32_1 = arith.constant 0 : i32
    return %c0_i32, %c0_i32_0 : i32, i32
  }
  func.func @transform_7(%arg0: i32) -> (i32, i32) {
    %c0_i32 = arith.constant 0 : i32
    %c0_i32_0 = arith.constant 0 : i32
    %c0_i32_1 = arith.constant 0 : i32
    return %c0_i32, %c0_i32_0 : i32, i32
  }
  func.func @transform_8(%arg0: i32) -> (i32, i32) {
    %c0_i32 = arith.constant 0 : i32
    %c0_i32_0 = arith.constant 0 : i32
    %c0_i32_1 = arith.constant 0 : i32
    return %c0_i32, %c0_i32_0 : i32, i32
  }
  func.func @transform_9(%arg0: i32) -> (i32, i32, i32) {
    %c0_i32 = arith.constant 0 : i32
    %c0_i32_0 = arith.constant 0 : i32
    %c0_i32_1 = arith.constant 0 : i32
    return %c0_i32, %arg0, %c0_i32_0 : i32, i32, i32
  }
}

module attributes {stable_mosaic.version = 14 : i64} {
  func.func @_node_kernel(%arg0: i32, %arg1: memref<1000x128xf32, #tpu.memory_space<vmem>>, %arg2: memref<2x1000x144xf32, #tpu.memory_space<vmem>>, %arg3: memref<1000x1xi32, #tpu.memory_space<vmem>>, %arg4: memref<16x64xf32, #tpu.memory_space<vmem>>, %arg5: memref<128x256xf32, #tpu.memory_space<vmem>>, %arg6: memref<256x256xf32, #tpu.memory_space<vmem>>, %arg7: memref<64x256xf32, #tpu.memory_space<vmem>>, %arg8: memref<1x256xf32, #tpu.memory_space<vmem>>, %arg9: memref<1x256xf32, #tpu.memory_space<vmem>>, %arg10: memref<1x256xf32, #tpu.memory_space<vmem>>, %arg11: memref<256x256xf32, #tpu.memory_space<vmem>>, %arg12: memref<1x256xf32, #tpu.memory_space<vmem>>, %arg13: memref<1000x256xf32, #tpu.memory_space<vmem>>) attributes {dimension_semantics = [#tpu.dimension_semantics<arbitrary>], iteration_bounds = array<i64: 10>, scalar_prefetch = 0 : i64, scratch_operands = 0 : i64, tpu.core_type = #tpu.core_type<tc>, window_params = [{transform_indices = @transform_0, window_bounds = array<i64: 1000, 128>}, {transform_indices = @transform_1, window_bounds = array<i64: 2, 1000, 144>}, {transform_indices = @transform_2, window_bounds = array<i64: 1000, 1>}, {pipeline_mode = #tpu.pipeline_mode<synchronous>, transform_indices = @transform_3, window_bounds = array<i64: 16, 64>}, {pipeline_mode = #tpu.pipeline_mode<synchronous>, transform_indices = @transform_4, window_bounds = array<i64: 128, 256>}, {pipeline_mode = #tpu.pipeline_mode<synchronous>, transform_indices = @transform_5, window_bounds = array<i64: 256, 256>}, {pipeline_mode = #tpu.pipeline_mode<synchronous>, transform_indices = @transform_6, window_bounds = array<i64: 64, 256>}, {pipeline_mode = #tpu.pipeline_mode<synchronous>, transform_indices = @transform_7, window_bounds = array<i64: 1, 256>}, {pipeline_mode = #tpu.pipeline_mode<synchronous>, transform_indices = @transform_8, window_bounds = array<i64: 1, 256>}, {pipeline_mode = #tpu.pipeline_mode<synchronous>, transform_indices = @transform_9, window_bounds = array<i64: 1, 256>}, {pipeline_mode = #tpu.pipeline_mode<synchronous>, transform_indices = @transform_10, window_bounds = array<i64: 256, 256>}, {pipeline_mode = #tpu.pipeline_mode<synchronous>, transform_indices = @transform_11, window_bounds = array<i64: 1, 256>}, {transform_indices = @transform_12, window_bounds = array<i64: 1000, 256>}]} {
    %get3A = arith.constant 0 : index
    %get3A_0 = arith.constant 0 : index
    %get3A_1 = arith.constant 0 : index
    %get3A_2 = vector.load %arg2[%get3A, %get3A_0, %get3A_1] : memref<2x1000x144xf32, #tpu.memory_space<vmem>>, vector<1x1000x144xf32>
    %get3A_3 = vector.shape_cast %get3A_2 : vector<1x1000x144xf32> to vector<1000x144xf32>
    %get3A_4 = arith.constant 1 : index
    %get3A_5 = arith.constant 0 : index
    %get3A_6 = arith.constant 0 : index
    %get3A_7 = vector.load %arg2[%get3A_4, %get3A_5, %get3A_6] : memref<2x1000x144xf32, #tpu.memory_space<vmem>>, vector<1x1000x144xf32>
    %get3A_8 = vector.shape_cast %get3A_7 : vector<1x1000x144xf32> to vector<1000x144xf32>
    %slice3A = vector.extract_strided_slice %get3A_8 {offsets = [0, 112], sizes = [1000, 1], strides = [1, 1]} : vector<1000x144xf32> to vector<1000x1xf32>
    %jit3A = arith.constant 1.000000e+00 : f32
    %max3A = vector.broadcast %jit3A : f32 to vector<1000x1xf32>
    %max3A_9 = arith.maximumf %max3A, %slice3A : vector<1000x1xf32>
    %div3A = arith.constant 1.000000e+00 : f32
    %div3A_10 = vector.broadcast %div3A : f32 to vector<1000x1xf32>
    %div3A_11 = arith.divf %div3A_10, %max3A_9 : vector<1000x1xf32>
    %slice3A_12 = vector.extract_strided_slice %get3A_8 {offsets = [0, 0], sizes = [1000, 112], strides = [1, 1]} : vector<1000x144xf32> to vector<1000x112xf32>
    %concatenate3A = tpu.concatenate %get3A_3, %slice3A_12 in 1 : vector<1000x144xf32>, vector<1000x112xf32> -> vector<1000x256xf32>
    %mul3A = vector.broadcast %div3A_11 : vector<1000x1xf32> to vector<1000x256xf32>
    %mul3A_13 = arith.mulf %concatenate3A, %mul3A : vector<1000x256xf32>
    %get3A_14 = arith.constant 0 : index
    %get3A_15 = arith.constant 0 : index
    %get3A_16 = vector.load %arg3[%get3A_14, %get3A_15] : memref<1000x1xi32, #tpu.memory_space<vmem>>, vector<1000x1xi32>
    %iota3A = tpu.iota {dimensions = array<i32: 1>} : vector<1000x16xi32>
    %eq3A = vector.broadcast %get3A_16 : vector<1000x1xi32> to vector<1000x16xi32>
    %eq3A_17 = arith.cmpi eq, %eq3A, %iota3A : vector<1000x16xi32>
    %convert_element_type3A = arith.extui %eq3A_17 : vector<1000x16xi1> to vector<1000x16xi32>
    %convert_element_type3A_18 = arith.sitofp %convert_element_type3A : vector<1000x16xi32> to vector<1000x16xf32>
    %get3A_19 = arith.constant 0 : index
    %get3A_20 = arith.constant 0 : index
    %get3A_21 = vector.load %arg4[%get3A_19, %get3A_20] : memref<16x64xf32, #tpu.memory_space<vmem>>, vector<16x64xf32>
    %dot_general3A = arith.constant dense<0.000000e+00> : vector<1000x64xf32>
    %dot_general3A_22 = tpu.matmul %convert_element_type3A_18, %get3A_21, %dot_general3A {dimension_numbers = #tpu.dot_dimension_numbers<[1], [0], [0], [1], [0, 0, 1, 1], [], []>, transpose_lhs_hint = false} : vector<1000x16xf32>, vector<16x64xf32>, vector<1000x64xf32> -> vector<1000x64xf32>
    %get3A_23 = arith.constant 0 : index
    %get3A_24 = arith.constant 0 : index
    %get3A_25 = vector.load %arg1[%get3A_23, %get3A_24] : memref<1000x128xf32, #tpu.memory_space<vmem>>, vector<1000x128xf32>
    %get3A_26 = arith.constant 0 : index
    %get3A_27 = arith.constant 0 : index
    %get3A_28 = vector.load %arg5[%get3A_26, %get3A_27] : memref<128x256xf32, #tpu.memory_space<vmem>>, vector<128x256xf32>
    %dot_general3A_29 = arith.constant dense<0.000000e+00> : vector<1000x256xf32>
    %dot_general3A_30 = tpu.matmul %get3A_25, %get3A_28, %dot_general3A_29 {dimension_numbers = #tpu.dot_dimension_numbers<[1], [0], [0], [1], [0, 0, 1, 1], [], []>, transpose_lhs_hint = false} : vector<1000x128xf32>, vector<128x256xf32>, vector<1000x256xf32> -> vector<1000x256xf32>
    %get3A_31 = arith.constant 0 : index
    %get3A_32 = arith.constant 0 : index
    %get3A_33 = vector.load %arg6[%get3A_31, %get3A_32] : memref<256x256xf32, #tpu.memory_space<vmem>>, vector<256x256xf32>
    %dot_general3A_34 = arith.constant dense<0.000000e+00> : vector<1000x256xf32>
    %dot_general3A_35 = tpu.matmul %mul3A_13, %get3A_33, %dot_general3A_34 {dimension_numbers = #tpu.dot_dimension_numbers<[1], [0], [0], [1], [0, 0, 1, 1], [], []>, transpose_lhs_hint = false} : vector<1000x256xf32>, vector<256x256xf32>, vector<1000x256xf32> -> vector<1000x256xf32>
    %add3A = arith.addf %dot_general3A_30, %dot_general3A_35 : vector<1000x256xf32>
    %get3A_36 = arith.constant 0 : index
    %get3A_37 = arith.constant 0 : index
    %get3A_38 = vector.load %arg7[%get3A_36, %get3A_37] : memref<64x256xf32, #tpu.memory_space<vmem>>, vector<64x256xf32>
    %dot_general3A_39 = arith.constant dense<0.000000e+00> : vector<1000x256xf32>
    %dot_general3A_40 = tpu.matmul %dot_general3A_22, %get3A_38, %dot_general3A_39 {dimension_numbers = #tpu.dot_dimension_numbers<[1], [0], [0], [1], [0, 0, 1, 1], [], []>, transpose_lhs_hint = false} : vector<1000x64xf32>, vector<64x256xf32>, vector<1000x256xf32> -> vector<1000x256xf32>
    %add3A_41 = arith.addf %add3A, %dot_general3A_40 : vector<1000x256xf32>
    %get3A_42 = arith.constant 0 : index
    %get3A_43 = arith.constant 0 : index
    %get3A_44 = vector.load %arg8[%get3A_42, %get3A_43] : memref<1x256xf32, #tpu.memory_space<vmem>>, vector<1x256xf32>
    %add3A_45 = vector.broadcast %get3A_44 : vector<1x256xf32> to vector<1000x256xf32>
    %add3A_46 = arith.addf %add3A_41, %add3A_45 : vector<1000x256xf32>
    %ge3A = arith.constant 0.000000e+00 : f32
    %ge3A_47 = vector.broadcast %ge3A : f32 to vector<1000x256xf32>
    %ge3A_48 = arith.cmpf oge, %add3A_46, %ge3A_47 : vector<1000x256xf32>
    %mul3A_49 = arith.constant 0.00999999977 : f32
    %mul3A_50 = vector.broadcast %mul3A_49 : f32 to vector<1000x256xf32>
    %mul3A_51 = arith.mulf %mul3A_50, %add3A_46 : vector<1000x256xf32>
    %select_n3A = arith.select %ge3A_48, %add3A_46, %mul3A_51 : vector<1000x256xi1>, vector<1000x256xf32>
    %get3A_52 = arith.constant 0 : index
    %get3A_53 = arith.constant 0 : index
    %get3A_54 = vector.load %arg9[%get3A_52, %get3A_53] : memref<1x256xf32, #tpu.memory_space<vmem>>, vector<1x256xf32>
    %get3A_55 = arith.constant 0 : index
    %get3A_56 = arith.constant 0 : index
    %get3A_57 = vector.load %arg10[%get3A_55, %get3A_56] : memref<1x256xf32, #tpu.memory_space<vmem>>, vector<1x256xf32>
    %reduce_sum3A = arith.constant dense<0.000000e+00> : vector<1000xf32>
    %reduce_sum3A_58 = vector.multi_reduction <add>, %select_n3A, %reduce_sum3A [1] : vector<1000x256xf32> to vector<1000xf32>
    %broadcast_in_dim3A = vector.shape_cast %reduce_sum3A_58 : vector<1000xf32> to vector<1000x1xf32>
    %div3A_59 = arith.constant 2.560000e+02 : f32
    %div3A_60 = vector.broadcast %div3A_59 : f32 to vector<1000x1xf32>
    %div3A_61 = arith.divf %broadcast_in_dim3A, %div3A_60 : vector<1000x1xf32>
    %sub3A = vector.broadcast %div3A_61 : vector<1000x1xf32> to vector<1000x256xf32>
    %sub3A_62 = arith.subf %select_n3A, %sub3A : vector<1000x256xf32>
    %integer_pow3A = arith.mulf %sub3A_62, %sub3A_62 : vector<1000x256xf32>
    %reduce_sum3A_63 = arith.constant dense<0.000000e+00> : vector<1000xf32>
    %reduce_sum3A_64 = vector.multi_reduction <add>, %integer_pow3A, %reduce_sum3A_63 [1] : vector<1000x256xf32> to vector<1000xf32>
    %broadcast_in_dim3A_65 = vector.shape_cast %reduce_sum3A_64 : vector<1000xf32> to vector<1000x1xf32>
    %div3A_66 = arith.constant 2.560000e+02 : f32
    %div3A_67 = vector.broadcast %div3A_66 : f32 to vector<1000x1xf32>
    %div3A_68 = arith.divf %broadcast_in_dim3A_65, %div3A_67 : vector<1000x1xf32>
    %sub3A_69 = vector.broadcast %div3A_61 : vector<1000x1xf32> to vector<1000x256xf32>
    %sub3A_70 = arith.subf %select_n3A, %sub3A_69 : vector<1000x256xf32>
    %add3A_71 = arith.constant 9.99999974E-6 : f32
    %add3A_72 = vector.broadcast %add3A_71 : f32 to vector<1000x1xf32>
    %add3A_73 = arith.addf %div3A_68, %add3A_72 : vector<1000x1xf32>
    %rsqrt3A = math.rsqrt %add3A_73 : vector<1000x1xf32>
    %mul3A_74 = vector.broadcast %rsqrt3A : vector<1000x1xf32> to vector<1000x256xf32>
    %mul3A_75 = arith.mulf %sub3A_70, %mul3A_74 : vector<1000x256xf32>
    %mul3A_76 = vector.broadcast %get3A_54 : vector<1x256xf32> to vector<1000x256xf32>
    %mul3A_77 = arith.mulf %mul3A_75, %mul3A_76 : vector<1000x256xf32>
    %add3A_78 = vector.broadcast %get3A_57 : vector<1x256xf32> to vector<1000x256xf32>
    %add3A_79 = arith.addf %mul3A_77, %add3A_78 : vector<1000x256xf32>
    %get3A_80 = arith.constant 0 : index
    %get3A_81 = arith.constant 0 : index
    %get3A_82 = vector.load %arg11[%get3A_80, %get3A_81] : memref<256x256xf32, #tpu.memory_space<vmem>>, vector<256x256xf32>
    %dot_general3A_83 = arith.constant dense<0.000000e+00> : vector<1000x256xf32>
    %dot_general3A_84 = tpu.matmul %add3A_79, %get3A_82, %dot_general3A_83 {dimension_numbers = #tpu.dot_dimension_numbers<[1], [0], [0], [1], [0, 0, 1, 1], [], []>, transpose_lhs_hint = false} : vector<1000x256xf32>, vector<256x256xf32>, vector<1000x256xf32> -> vector<1000x256xf32>
    %get3A_85 = arith.constant 0 : index
    %get3A_86 = arith.constant 0 : index
    %get3A_87 = vector.load %arg12[%get3A_85, %get3A_86] : memref<1x256xf32, #tpu.memory_space<vmem>>, vector<1x256xf32>
    %add3A_88 = vector.broadcast %get3A_87 : vector<1x256xf32> to vector<1000x256xf32>
    %add3A_89 = arith.addf %dot_general3A_84, %add3A_88 : vector<1000x256xf32>
    %swap3A = arith.constant 0 : index
    %swap3A_90 = arith.constant 0 : index
    %swap3A_91 = vector.load %arg13[%swap3A, %swap3A_90] : memref<1000x256xf32, #tpu.memory_space<vmem>>, vector<1000x256xf32>
    tpu.vector_store %arg13[%swap3A, %swap3A_90], %add3A_89 {strides = array<i32>} : memref<1000x256xf32, #tpu.memory_space<vmem>>, vector<1000x256xf32>,
    return
  }
  func.func @transform_0(%arg0: i32) -> (i32, i32) {
    %c0_i32 = arith.constant 0 : i32
    %c0_i32_0 = arith.constant 0 : i32
    return %arg0, %c0_i32 : i32, i32
  }
  func.func @transform_1(%arg0: i32) -> (i32, i32, i32) {
    %c0_i32 = arith.constant 0 : i32
    %c0_i32_0 = arith.constant 0 : i32
    %c0_i32_1 = arith.constant 0 : i32
    return %c0_i32, %arg0, %c0_i32_0 : i32, i32, i32
  }
  func.func @transform_2(%arg0: i32) -> (i32, i32) {
    %c0_i32 = arith.constant 0 : i32
    %c0_i32_0 = arith.constant 0 : i32
    return %arg0, %c0_i32 : i32, i32
  }
  func.func @transform_3(%arg0: i32) -> (i32, i32) {
    %c0_i32 = arith.constant 0 : i32
    %c0_i32_0 = arith.constant 0 : i32
    %c0_i32_1 = arith.constant 0 : i32
    return %c0_i32, %c0_i32_0 : i32, i32
  }
  func.func @transform_4(%arg0: i32) -> (i32, i32) {
    %c0_i32 = arith.constant 0 : i32
    %c0_i32_0 = arith.constant 0 : i32
    %c0_i32_1 = arith.constant 0 : i32
    return %c0_i32, %c0_i32_0 : i32, i32
  }
  func.func @transform_5(%arg0: i32) -> (i32, i32) {
    %c0_i32 = arith.constant 0 : i32
    %c0_i32_0 = arith.constant 0 : i32
    %c0_i32_1 = arith.constant 0 : i32
    return %c0_i32, %c0_i32_0 : i32, i32
  }
  func.func @transform_6(%arg0: i32) -> (i32, i32) {
    %c0_i32 = arith.constant 0 : i32
    %c0_i32_0 = arith.constant 0 : i32
    %c0_i32_1 = arith.constant 0 : i32
    return %c0_i32, %c0_i32_0 : i32, i32
  }
  func.func @transform_7(%arg0: i32) -> (i32, i32) {
    %c0_i32 = arith.constant 0 : i32
    %c0_i32_0 = arith.constant 0 : i32
    %c0_i32_1 = arith.constant 0 : i32
    return %c0_i32, %c0_i32_0 : i32, i32
  }
  func.func @transform_8(%arg0: i32) -> (i32, i32) {
    %c0_i32 = arith.constant 0 : i32
    %c0_i32_0 = arith.constant 0 : i32
    %c0_i32_1 = arith.constant 0 : i32
    return %c0_i32, %c0_i32_0 : i32, i32
  }
  func.func @transform_9(%arg0: i32) -> (i32, i32) {
    %c0_i32 = arith.constant 0 : i32
    %c0_i32_0 = arith.constant 0 : i32
    %c0_i32_1 = arith.constant 0 : i32
    return %c0_i32, %c0_i32_0 : i32, i32
  }
  func.func @transform_10(%arg0: i32) -> (i32, i32) {
    %c0_i32 = arith.constant 0 : i32
    %c0_i32_0 = arith.constant 0 : i32
    %c0_i32_1 = arith.constant 0 : i32
    return %c0_i32, %c0_i32_0 : i32, i32
  }
  func.func @transform_11(%arg0: i32) -> (i32, i32) {
    %c0_i32 = arith.constant 0 : i32
    %c0_i32_0 = arith.constant 0 : i32
    %c0_i32_1 = arith.constant 0 : i32
    return %c0_i32, %c0_i32_0 : i32, i32
  }
  func.func @transform_12(%arg0: i32) -> (i32, i32) {
    %c0_i32 = arith.constant 0 : i32
    %c0_i32_0 = arith.constant 0 : i32
    return %arg0, %c0_i32 : i32, i32
  }
}

</mosaic_0001>

<sc_bundles>
// kernel: kernel.6.cloned.1.call-start
scs
__scs_entry_jumppad:
0x0: {  	(pc) =	sbr.rel $0x88, $3  }
0x1: {  	(tag) =	ssettag $0x0;
	lr =	simm.s32 $0x1  }
0x2: {  	[smem:$0x3F90] =	sst lr;
	_ =	strace $0xD0000000  }
0x3: {  	_ = 	snop  }
0x4: {  	_ = 	snop  }
0x5: {  	_ = 	snop  }
0x6: {  	_ = 	snop  }
0x7: {  	_ = 	snop  }
__scs_overlays_trampoline_lowered:
0x8: {  	[smem:$0x3F9F] =	sst s0  }
0x9: {  	[smem:$0x3FA0] =	sst s1  }
0xa: {  	[smem:$0x3FA1] =	sst s2  }
0xb: {  	[smem:$0x3FA2] =	sst s3  }
0xc: {  	[smem:$0x3FA3] =	sst s4  }
0xd: {  	[smem:$0x3FA4] =	sst s5  }
0xe: {  	[smem:$0x3FA5] =	sst s6  }
0xf: {  	[smem:$0x3FA6] =	sst s7  }
0x10: {  	[smem:$0x3FA7] =	sst s8  }
0x11: {  	[smem:$0x3FA8] =	sst s9;
	s0 =	simm.s32 @!p0 $0x0  }
0x12: {  	s1 =	sld [smem:$0x3F8E];
	s0 =	simm.s32 @p0 $0x1  }
0x13: {  	[smem:$0x3FA9] =	sst s0;
	s0 =	simm.s32 @!p1 $0x0  }
0x14: {  	s2 =	sld [smem:$0x3F8D];
	s0 =	simm.s32 @p1 $0x1  }
0x15: {  	[smem:$0x3FAA] =	sst s0;
	s0 =	simm.s32 @!p2 $0x0  }
0x16: {  	s3 =	sld [smem:$0x3FDB];
	s0 =	simm.s32 @p2 $0x1  }
0x17: {  	s4 =	simm.s32 $0x1BF5;
	[smem:$0x3FAC] =	sst s0  }
0x18: {  	s0 =	sld [smem:$0x3F8F];
	_ =	swait.ge [sflag:s4], $0x0  }
0x19: {  	s7 =	sld [smem:$0x3F90]  }
0x1a: {  	s8 =	sadd.s32 $0xFFFFE003, lr  }
0x1b: {  	s9 =	sadd.s32 $0xFFFFFEF7, lr;
	s5 =	simm.s32 $0xFFFFFFFF;
	p2 =	slt.u32 s8, $0xFFFFF086  }
0x1c: {  	p1 =	slt.u32 s9, $0xF7A;
	s5 =	simm.s32 @!p2 $0x0  }
0x1d: {  	s5 =	simm.s32 @p1 $0x1;
	p0 =	seq.s32 s7, s2  }
0x1e: {  	s7 =	smul.u32 @!p0 $0xF7A, s2;
	p2 =	seq.s32 @!p0 s5, $0x0  }
0x1f: {  	s9 =	smul.u32 $0xF7A, s1;
	s8 =	simm.s32 @!p0 $0x1BF5;
	p2 =	por !p2, p0  }
0x20: {  	[sflag:s8] =	ssyncset.s32 @!p0 $0xFFFFF086;
	s6 =	sadd.s32 @!p0 s3, s7;
	s7 =	simm.s32 @!p0 $0x108  }
0x21: {  	s3 =	sadd.s32 s3, s9;
	s6 =	sadd.s32 @!p0 $0x88, s6;
	s7 =	simm.s32 @p2 $0x1082  }
0x22: {  	[simem:s7], [sflag:s8] =	dma.local @!p0 [hbm:s6], $0xF7A  }
0x23: {  	s9 =	sor.u32 $0xD0000000, s2;
	s6 =	simm.s32 $0x108;
	_ =	swait.ge @!p0 [sflag:s8], $0x0  }
0x24: {  	s3 =	sadd.s32 $0x88, s3;
	s6 =	simm.s32 @!p1 $0x1082;
	[sflag:s4] =	ssyncset.s32 $0xFFFFF086  }
0x25: {  	[simem:s6], [sflag:s4] =	dma.local [hbm:s3], $0xF7A  }
0x26: {  	[smem:$0x3F90] =	sst s1;
	(tag) =	ssettag s2;
	_ =	strace s9  }
0x27: {  	s1 =	sld [smem:$0x3FA0]  }
0x28: {  	s2 =	sld [smem:$0x3FA1]  }
0x29: {  	s4 =	sld [smem:$0x3FA3]  }
0x2a: {  	p0 =	seq.s32 s5, $0x0;
	s5 =	sld [smem:$0x3FA4]  }
0x2b: {  	s6 =	sld [smem:$0x3FA5]  }
0x2c: {  	s7 =	sld [smem:$0x3FA6]  }
0x2d: {  	s3 =	simm.s32 $0x108;
	s8 =	sld [smem:$0x3FA7]  }
0x2e: {  	s3 =	simm.s32 @!p0 $0x1082;
	s9 =	sld [smem:$0x3FA8]  }
0x2f: {  	lr =	sadd.s32 s0, s3;
	s0 =	sld [smem:$0x3F9F]  }
0x30: {  	s3 =	sld [smem:$0x3FA2]  }
0x31: {  	[smem:$0x3FAB] =	sst s10  }
0x32: {  	s10 =	sld [smem:$0x3FA9];
	_ =	sdelay $0x3  }
0x33: {  	p0 =	seq.s32 s10, $0x1;
	s10 =	sld [smem:$0x3FAB];
	_ =	sdelay $0x3  }
0x34: {  	[smem:$0x3FAB] =	sst s10  }
0x35: {  	s10 =	sld [smem:$0x3FAA];
	_ =	sdelay $0x3  }
0x36: {  	p1 =	seq.s32 s10, $0x1;
	s10 =	sld [smem:$0x3FAB];
	_ =	sdelay $0x3  }
0x37: {  	[smem:$0x3FAB] =	sst s10  }
0x38: {  	s10 =	sld [smem:$0x3FAC]  }
0x39: {  	_ = 	snop;
	(pc) =	sbr.ind lr, $3  }
0x3a: {  	_ = 	snop  }
0x3b: {  	_ = 	snop  }
0x3c: {  	p2 =	seq.s32 s10, $0x1;
	s10 =	sld [smem:$0x3FAB]  }
0x3d: {  	_ =	shalt  }
0x3e: {  	_ =	shalt  }
0x3f: {  	_ =	shalt  }
0x40: {  	_ =	shalt  }
0x41: {  	_ =	shalt  }
0x42: {  	_ =	shalt  }
0x43: {  	_ =	shalt  }
0x44: {  	_ =	shalt  }
0x45: {  	_ =	shalt  }
0x46: {  	_ =	shalt  }
0x47: {  	_ =	shalt  }
0x48: {  	_ =	shalt  }
0x49: {  	_ =	shalt  }
0x4a: {  	_ =	shalt  }
0x4b: {  	_ =	shalt  }
0x4c: {  	_ =	shalt  }
0x4d: {  	_ =	shalt  }
0x4e: {  	_ =	shalt  }
0x4f: {  	_ =	shalt  }
0x50: {  	_ =	shalt  }
0x51: {  	_ =	shalt  }
0x52: {  	_ =	shalt  }
0x53: {  	_ =	shalt  }
0x54: {  	_ =	shalt  }
0x55: {  	_ =	shalt  }
0x56: {  	_ =	shalt  }
0x57: {  	_ =	shalt  }
0x58: {  	_ =	shalt  }
0x59: {  	_ =	shalt  }
0x5a: {  	_ =	shalt  }
0x5b: {  	_ =	shalt  }
0x5c: {  	_ =	shalt  }
0x5d: {  	_ =	shalt  }
0x5e: {  	_ =	shalt  }
0x5f: {  	_ =	shalt  }
0x60: {  	_ =	shalt  }
0x61: {  	_ =	shalt  }
0x62: {  	_ =	shalt  }
0x63: {  	_ =	shalt  }
0x64: {  	_ =	shalt  }
0x65: {  	_ =	shalt  }
0x66: {  	_ =	shalt  }
0x67: {  	_ =	shalt  }
0x68: {  	_ =	shalt  }
0x69: {  	_ =	shalt  }
0x6a: {  	_ =	shalt  }
0x6b: {  	_ =	shalt  }
0x6c: {  	_ =	shalt  }
0x6d: {  	_ =	shalt  }
0x6e: {  	_ =	shalt  }
0x6f: {  	_ =	shalt  }
0x70: {  	_ =	shalt  }
0x71: {  	_ =	shalt  }
0x72: {  	_ =	shalt  }
0x73: {  	_ =	shalt  }
0x74: {  	_ =	shalt  }
0x75: {  	_ =	shalt  }
0x76: {  	_ =	shalt  }
0x77: {  	_ =	shalt  }
0x78: {  	_ =	shalt  }
0x79: {  	_ =	shalt  }
0x7a: {  	_ =	shalt  }
0x7b: {  	_ =	shalt  }
0x7c: {  	_ =	shalt  }
0x7d: {  	_ =	shalt  }
0x7e: {  	_ =	shalt  }
0x7f: {  	_ =	shalt  }
0x80: {  	_ =	shalt  }
0x81: {  	_ =	shalt  }
0x82: {  	_ =	shalt  }
0x83: {  	_ =	shalt  }
0x84: {  	_ =	shalt  }
0x85: {  	_ =	shalt  }
0x86: {  	_ =	shalt  }
0x87: {  	_ =	shalt  }
.Lfunc_end0:
.L_simem_size_0:
called_computation_lowered:
.L_overlay_start_0:
0x88: {  	s2 =	sld [smem:$0x3FD9]  }
0x89: {  	s3 =	sld [smem:$0x3FFE];
	_ =	sdelay $0x1  }
0x8a: {  	s1 =	srdreg.scid  }
0x8b: {  	s0 =	sand.u32 $0x1, s1  }
0x8c: {  	s17 =	sshll.u32 s0, $0xA;
	s2 =	sadd.s32 s3, s2  }
0x8d: {  	s2 =	sadd.s32 s2, s17  }
0x8e: {  	[smem:$0x3FB7] =	sst s2  }
0x8f: {  	_ = 	snop  }
0x90: {  	s2 =	sld [smem:$0x3FC9]  }
0x91: {  	s18 =	sld [smem:$0x3FD0];
	(tm) =	ssettm $0x1  }
0x92: {  	s4 =	sld [smem:$0x3FFB];
	_ =	sdelay $0x3  }
0x93: {  	_ =	strace s4  }
0x94: {  	s4 =	sld [smem:$0x3FFC];
	_ =	sdelay $0x3  }
0x95: {  	_ =	strace s4  }
0x96: {  	s4 =	sld [smem:$0x3FFD];
	_ =	sdelay $0x3  }
0x97: {  	_ =	strace s4  }
0x98: {  	_ =	strace $0x8FFFFFFF  }
0x99: {  	s19 =	sld [smem:$0x3FDB];
	_ =	sdelay $0x1  }
0x9a: {  	s5 =	simm.s32 $_scs_section_size  }
0x9b: {  	s6 =	simm.s32 $_size__tile_overlayer_lowered;
	s7 =	simm.s32 $_tile_overlayer_lowered  }
0x9c: {  	s22 =	simm.s32 $0x1BFF;
	s21 =	sshll.u32 s7, $0x1;
	s4 =	sadd.s32 s5, s19  }
0x9d: {  	s8 =	simm.s32 $0x0;
	s20 =	sshll.u32 s6, $0x1;
	s6 =	sadd.s32 s21, s4  }
0x9e: {  	[timem:s8], [sflag:s22] =	dma.local [hbm:s6], s20  }
0x9f: {  	_ =	swait.ge [sflag:s22], s20  }
0xa0: {  	s5 =	ssub.s32 $0x0, s20;
	[sflag:s22] =	ssyncset.done $0x0  }
0xa1: {  	[sflag:s22] =	ssyncadd.s32 s5;
	_ =	sdelay $0x1  }
0xa2: {  	s23 =	simm.s32 $0x1B8B  }
0xa3: {  	_ =	swait.ge [sflag:s23], $0x1  }
0xa4: {  	[sflag:s23] =	ssyncset.done $0x0  }
0xa5: {  	s25 =	simm.s32 $0x1B8E;
	s24 =	sld [smem:$0x3FFE];
	[sflag:s23] =	ssyncadd.s32 $0xFFFFFFFF  }
0xa6: {  	s26 =	simm.s32 $execute0_lowered;
	[smem:$0x3FD2] =	sst s25  }
0xa7: {  	s6 =	sshll.u32 s26, $0x1;
	_ =	strace $0x80000046;
	[dreg:$0x1] =	wrdreg $0xFFFFFFFF  }
0xa8: {  	s28 =	simm.s32 $_size_execute0_lowered;
	s4 =	sadd.s32 s4, s6;
	[dreg:$0x0] =	wrdreg $0x0  }
0xa9: {  	s6 =	sshll.u32 s28, $0x1;
	[dreg:$0x2] =	wrdreg s4  }
0xaa: {  	[dreg:$0x3] =	wrdreg s6  }
0xab: {  	[dreg:$0x4] =	wrdreg $0xC0  }
0xac: {  	_ =	task [dreg:s8], $0x5FFFF  }
0xad: {  	[dreg:$0x1] =	wrdreg $0xFFFFFFFF  }
0xae: {  	[dreg:$0x0] =	wrdreg $0x60  }
0xaf: {  	[dreg:$0x2] =	wrdreg s2  }
0xb0: {  	[dreg:$0x3] =	wrdreg s18  }
0xb1: {  	[dreg:$0x4] =	wrdreg s24  }
0xb2: {  	[dreg:$0x5] =	wrdreg $0x9  }
0xb3: {  	_ =	task.clear_ibuf [dreg:s8], $0x6FFFF;
	_ =	strace $0x90000046  }
0xb4: {  	s29 =	simm.s32 $0x9;
	_ =	strace $0x80000048  }
0xb5: {  	_ =	swait.ge [sflag:s29], $0x1  }
0xb6: {  	[sflag:s29] =	ssyncadd.s32 $0xFFFFFFFF  }
0xb7: {  	_ =	strace $0x90000048  }
0xb8: {  	_ =	sfence  }
0xb9: {  	s30 =	sld [smem:$0x0];
	_ =	sdelay $0x2  }
0xba: {  	s31 =	sshll.u32 s1, $0xD;
	s1 =	sshrl.u32 s1, $0x2  }
0xbb: {  	s3 =	sand.u32 $0x4000, s31;
	s1 =	sadd.s32 s1, s30  }
0xbc: {  	s0 =	sor.u32 s3, s0;
	s1 =	sshll.u32 s1, $0x11  }
0xbd: {  	s0 =	sor.u32 s1, s0  }
0xbe: {  	s0 =	sadd.s32 $0x8F2B, s0  }
0xbf: {  	[sflag:s0] =	ssyncadd.remote.s32 $0x1  }
0xc0: {  	_ =	sfence.sel $0xFFFF  }
0xc1: {  	[dreg:$0x0] =	wrdreg $0xFFFFFFFF;
	(pc) =	sbr.abs _section_cstart, $3  }
0xc2: {  	[dreg:$0x1] =	wrdreg $0xFFFFFFFF  }
0xc3: {  	_ =	task.clear_ibuf [dreg:s8], $0x2FFFF;
	_ =	strace $0x9FFFFFFF  }
0xc4: {  	(tm) =	ssettm $0x7FFFFFFF  }
0xc5: {  	_ =	shalt  }
tec
execute0_lowered:
.L_overlay_start_1:
0x0: {  	(tag) =	ssettag $0x1  }
0x1: {  	s2 =	rddreg [dreg:$0x0]  }
0x2: {  	s3 =	rddreg [dreg:$0x1]  }
0x3: {  	s5 =	rddreg [dreg:$0x2]  }
0x4: {  	s1 =	stileid.u32;
	s4 =	srdreg.scid  }
0x5: {  	s0 =	rddreg [dreg:$0x3];
	s12 =	simm.s32 $0x100;
	s13 =	simm.s32 $0x8200  }
0x6: {  	s14 =	simm.s32 $0x180;
	s15 =	simm.s32 $0xC200;
	s6 =	smul.u32 $0x50000, s1  }
0x7: {  	s16 =	simm.s32 $0x1;
	s7 =	sand.u32 $0x1, s4;
	s11 =	smul.u32 $0xA00, s1  }
0x8: {  	s17 =	simm.s32 $0x0;
	s4 =	simm.s32 $0x0;
	s9 =	smul.u32 $0x28000, s7  }
0x9: {  	s8 =	ssub.s32 $0x2, s7;
	[smem:$0x7FF] =	sst s4;
	s7 =	smul.u32 $0x500, s7  }
0xa: {  	s10 =	sshrl.u32 s8, $0x1;
	s6 =	sadd.s32 s6, s5;
	_ =	strace $0x80000047  }
0xb: {  	s31 =	ssub.s32 s8, s10;
	s6 =	sadd.s32 s9, s6;
	s7 =	sadd.s32 s7, s11  }
0xc: {  	s8 =	simm.s32 $0x2;
	s9 =	simm.s32 $0x80;
	s10 =	simm.s32 $0x200  }
0xd: {  	s11 =	simm.s32 $0x4200;
	s5 =	smax.u32 s31, $0x1;
	s6 =	sadd.s32 $0xC400, s6  }
.LBB2_1:
0xe: {  	s18 =	sadd.s32 $0x0, s7;
	s19 =	sand.u32 $0x40, s4  }
0xf: {  	s18 =	sand.u32 $0xFFFFF80, s18;
	s19 =	sadd.s32 s3, s19  }
0x10: {  	s18 =	sadd.s32 s18, s19  }
0x11: {  	[tilespmem:s4], [sflag:$0x2] =	stream.linear.gather [hbm4b:s18+s4], $0x200, $0x38;
	[tilespmem:$0x10200] =	vst v63  }
0x12: {  	_ =	swait.ge [sflag:s8], $0x200  }
0x13: {  	[sflag:s8] =	ssyncset.done $0x0  }
0x14: {  	[sflag:s8] =	ssyncadd.s32 $0xFFFFFE00  }
0x15: {  	[tilespmem:s10], [sflag:$0x1] =	stream.indirect.gather [hbm4b:s2+s9], $0x80, s4, s9, $0xb8;
	[tilespmem:$0x10200] =	vst v63  }
0x16: {  	_ = 	snop  }
0x17: {  	[tilespmem:s11], [sflag:$0x1] =	stream.indirect.gather [hbm4b:s2+s9], $0x80, s9, s9, $0xb8;
	[tilespmem:$0x10200] =	vst v63  }
0x18: {  	_ = 	snop  }
0x19: {  	[tilespmem:s13], [sflag:$0x1] =	stream.indirect.gather [hbm4b:s2+s9], $0x80, s12, s9, $0xb8;
	[tilespmem:$0x10200] =	vst v63  }
0x1a: {  	_ = 	snop  }
0x1b: {  	[tilespmem:s15], [sflag:$0x1] =	stream.indirect.gather [hbm4b:s2+s9], $0x80, s14, s9, $0xb8;
	[tilespmem:$0x10200] =	vst v63  }
0x1c: {  	_ =	swait.ge [sflag:s16], $0x4000  }
0x1d: {  	[sflag:s16] =	ssyncset.done $0x0  }
0x1e: {  	[sflag:s16] =	ssyncadd.s32 $0xFFFFC000  }
0x1f: {  	_ =	swait.ge [sflag:s16], $0x4000  }
0x20: {  	[sflag:s16] =	ssyncset.done $0x0  }
0x21: {  	[sflag:s16] =	ssyncadd.s32 $0xFFFFC000  }
0x22: {  	_ =	swait.ge [sflag:s16], $0x4000  }
0x23: {  	[sflag:s16] =	ssyncset.done $0x0  }
0x24: {  	[sflag:s16] =	ssyncadd.s32 $0xFFFFC000  }
0x25: {  	_ =	swait.ge [sflag:s16], $0x4000  }
0x26: {  	s20 =	simm.s32 $0x40;
	[sflag:s16] =	ssyncset.done $0x0  }
0x27: {  	s21 =	sadd.s32 $0x40, s7;
	s22 =	sand.u32 $0x40, s20;
	[sflag:s16] =	ssyncadd.s32 $0xFFFFC000  }
0x28: {  	[hbm4b:s6+s4] =	stream.linear.scatter [tilespmem:s10], [sflag:$0x2], $0x10000, $0x38;
	[tilespmem:$0x10200] =	vst v63  }
0x29: {  	s20 =	sand.u32 $0xFFFFF80, s21;
	s19 =	simm.s32 $0x80;
	_ =	swait.ge [sflag:s8], $0x10000  }
0x2a: {  	s21 =	sadd.s32 s3, s22;
	s18 =	sadd.s32 $0x2000, s6;
	[sflag:s8] =	ssyncset.done $0x0  }
.LBB2_2:
0x2b: {  	s20 =	sadd.s32 s20, s21;
	[sflag:s8] =	ssyncadd.s32 $0xFFFF0000  }
0x2c: {  	s21 =	smov.u32 s19;
	s22 =	sadd.s32 $0x40, s19;
	s23 =	smov.u32 s18  }
0x2d: {  	[tilespmem:s4], [sflag:$0x2] =	stream.linear.gather [hbm4b:s20+s4], $0x200, $0x38;
	[tilespmem:$0x10200] =	vst v63  }
0x2e: {  	p0 =	sne.s32 s19, $0x4C0;
	_ =	swait.ge [sflag:s8], $0x200  }
0x2f: {  	[sflag:s8] =	ssyncset.done $0x0  }
0x30: {  	[sflag:s8] =	ssyncadd.s32 $0xFFFFFE00  }
0x31: {  	[tilespmem:s10], [sflag:$0x1] =	stream.indirect.gather [hbm4b:s2+s9], $0x80, s4, s9, $0xb8;
	[tilespmem:$0x10200] =	vst v63  }
0x32: {  	_ = 	snop  }
0x33: {  	[tilespmem:s11], [sflag:$0x1] =	stream.indirect.gather [hbm4b:s2+s9], $0x80, s9, s9, $0xb8;
	[tilespmem:$0x10200] =	vst v63  }
0x34: {  	_ = 	snop  }
0x35: {  	[tilespmem:s13], [sflag:$0x1] =	stream.indirect.gather [hbm4b:s2+s9], $0x80, s12, s9, $0xb8;
	[tilespmem:$0x10200] =	vst v63  }
0x36: {  	_ = 	snop  }
0x37: {  	[tilespmem:s15], [sflag:$0x1] =	stream.indirect.gather [hbm4b:s2+s9], $0x80, s14, s9, $0xb8;
	[tilespmem:$0x10200] =	vst v63  }
0x38: {  	_ =	swait.ge [sflag:s16], $0x4000  }
0x39: {  	[sflag:s16] =	ssyncset.done $0x0  }
0x3a: {  	[sflag:s16] =	ssyncadd.s32 $0xFFFFC000  }
0x3b: {  	_ =	swait.ge [sflag:s16], $0x4000  }
0x3c: {  	[sflag:s16] =	ssyncset.done $0x0  }
0x3d: {  	[sflag:s16] =	ssyncadd.s32 $0xFFFFC000  }
0x3e: {  	_ =	swait.ge [sflag:s16], $0x4000  }
0x3f: {  	[sflag:s16] =	ssyncset.done $0x0  }
0x40: {  	[sflag:s16] =	ssyncadd.s32 $0xFFFFC000  }
0x41: {  	_ =	swait.ge [sflag:s16], $0x4000  }
.Ltmp0:
0x42: {  	[sflag:s16] =	ssyncset.done $0x0;
	(pc) =	sbr.rel @p0 .LBB2_2-.Ltmp0, $4  }
0x43: {  	s18 =	sadd.s32 $0x2000, s18;
	s19 =	sadd.s32 s21, s7;
	[sflag:s16] =	ssyncadd.s32 $0xFFFFC000  }
0x44: {  	[hbm4b:s23+s4] =	stream.linear.scatter [tilespmem:s10], [sflag:$0x2], $0x10000, $0x38;
	[tilespmem:$0x10200] =	vst v63  }
0x45: {  	s21 =	sand.u32 $0x40, s21;
	s20 =	sand.u32 $0xFFFFF80, s19;
	_ =	swait.ge [sflag:s8], $0x10000  }
0x46: {  	s21 =	sadd.s32 s3, s21;
	s19 =	smov.u32 s22;
	[sflag:s8] =	ssyncset.done $0x0  }
0x47: {  	s19 =	sadd.s32 s20, s21;
	[sflag:s8] =	ssyncadd.s32 $0xFFFF0000  }
0x48: {  	[tilespmem:s4], [sflag:$0x2] =	stream.linear.gather [hbm4b:s19+s4], $0x200, $0x38;
	[tilespmem:$0x10200] =	vst v63  }
0x49: {  	_ =	swait.ge [sflag:s8], $0x200  }
0x4a: {  	[sflag:s8] =	ssyncset.done $0x0  }
0x4b: {  	[sflag:s8] =	ssyncadd.s32 $0xFFFFFE00  }
0x4c: {  	[tilespmem:s10], [sflag:$0x1] =	stream.indirect.gather [hbm4b:s2+s9], $0x80, s4, s9, $0xb8;
	[tilespmem:$0x10200] =	vst v63  }
0x4d: {  	_ = 	snop  }
0x4e: {  	[tilespmem:s11], [sflag:$0x1] =	stream.indirect.gather [hbm4b:s2+s9], $0x80, s9, s9, $0xb8;
	[tilespmem:$0x10200] =	vst v63  }
0x4f: {  	_ = 	snop  }
0x50: {  	[tilespmem:s13], [sflag:$0x1] =	stream.indirect.gather [hbm4b:s2+s9], $0x80, s12, s9, $0xb8;
	[tilespmem:$0x10200] =	vst v63  }
0x51: {  	_ = 	snop  }
0x52: {  	[tilespmem:s15], [sflag:$0x1] =	stream.indirect.gather [hbm4b:s2+s9], $0x80, s14, s9, $0xb8;
	[tilespmem:$0x10200] =	vst v63  }
0x53: {  	_ =	swait.ge [sflag:s16], $0x4000  }
0x54: {  	[sflag:s16] =	ssyncset.done $0x0  }
0x55: {  	[sflag:s16] =	ssyncadd.s32 $0xFFFFC000  }
0x56: {  	_ =	swait.ge [sflag:s16], $0x4000  }
0x57: {  	[sflag:s16] =	ssyncset.done $0x0  }
0x58: {  	[sflag:s16] =	ssyncadd.s32 $0xFFFFC000  }
0x59: {  	_ =	swait.ge [sflag:s16], $0x4000  }
0x5a: {  	[sflag:s16] =	ssyncset.done $0x0  }
0x5b: {  	[sflag:s16] =	ssyncadd.s32 $0xFFFFC000  }
0x5c: {  	s17 =	sadd.s32 $0x1, s17;
	_ =	swait.ge [sflag:s16], $0x4000  }
0x5d: {  	p0 =	sne.s32 s17, s5;
	[sflag:s16] =	ssyncset.done $0x0  }
.Ltmp1:
0x5e: {  	[sflag:s16] =	ssyncadd.s32 $0xFFFFC000;
	(pc) =	sbr.rel @p0 .LBB2_1-.Ltmp1, $4  }
0x5f: {  	[hbm4b:s18+s4] =	stream.linear.scatter [tilespmem:s10], [sflag:$0x2], $0x10000, $0x38;
	[tilespmem:$0x10200] =	vst v63  }
0x60: {  	_ =	swait.ge [sflag:s8], $0x10000  }
0x61: {  	[sflag:s8] =	ssyncset.done $0x0  }
0x62: {  	[sflag:s8] =	ssyncadd.s32 $0xFFFF0000  }
0x63: {  	_ =	sfence.sel $0x180000  }
0x64: {  	[bflag:$0x0] =	sbarrier.arrive $0xFFFF  }
0x65: {  	p0 =	sne.s32 s1, $0x0;
	_ =	strace $0x90000047  }
0x66: {  	s0 =	sadd.s32 @!p0 $0x100000, s0;
	[bflag:$0x2] =	sbarrier.arrive $0xFFFF  }
0x67: {  	[sflag:s0] =	ssyncadd.tile.s32 @!p0 $0x1;
	_ =	shalt  }
.Lfunc_end2:
_tile_overlayer_lowered:
.L_overlay_start_2:
0x68: {  	(tag) =	ssettag $0x2  }
0x69: {  	s0 =	rddreg [dreg:$0x0];
	s2 =	stileid.u32  }
0x6a: {  	s1 =	rddreg [dreg:$0x1];
	p0 =	sne.s32 s2, $0x0  }
0x6b: {  	s3 =	rddreg [dreg:$0x2];
	[bflag:$0x3] =	sbarrier.arrive $0xFFFF;
	s2 =	simm.s32 @!p0 $0x1C02  }
0x6c: {  	[timem:s3], [sflag:s2] =	dma.local @!p0 [hbm:s0], s1  }
0x6d: {  	s0 =	simm.s32 @!p0 $0x2  }
0x6e: {  	_ =	swait.ge @!p0 [sflag:s0], s1  }
0x6f: {  	s1 =	ssub.s32 @!p0 $0x0, s1;
	[sflag:s0] =	ssyncset.done @!p0 $0x0  }
0x70: {  	[sflag:s0] =	ssyncadd.s32 @!p0 s1  }
0x71: {  	[bflag:$0x3] =	sbarrier.arrive $0xFFFF  }
0x72: {  	_ =	shalt  }

// kernel: kernel.9.cloned.1.call-start
scs
__scs_entry_jumppad:
0x0: {  	(pc) =	sbr.rel $0x88, $3  }
0x1: {  	(tag) =	ssettag $0x0;
	lr =	simm.s32 $0x1  }
0x2: {  	[smem:$0x3F90] =	sst lr;
	_ =	strace $0xD0000000  }
0x3: {  	_ = 	snop  }
0x4: {  	_ = 	snop  }
0x5: {  	_ = 	snop  }
0x6: {  	_ = 	snop  }
0x7: {  	_ = 	snop  }
__scs_overlays_trampoline_lowered:
0x8: {  	[smem:$0x3F9F] =	sst s0  }
0x9: {  	[smem:$0x3FA0] =	sst s1  }
0xa: {  	[smem:$0x3FA1] =	sst s2  }
0xb: {  	[smem:$0x3FA2] =	sst s3  }
0xc: {  	[smem:$0x3FA3] =	sst s4  }
0xd: {  	[smem:$0x3FA4] =	sst s5  }
0xe: {  	[smem:$0x3FA5] =	sst s6  }
0xf: {  	[smem:$0x3FA6] =	sst s7  }
0x10: {  	[smem:$0x3FA7] =	sst s8  }
0x11: {  	[smem:$0x3FA8] =	sst s9;
	s0 =	simm.s32 @!p0 $0x0  }
0x12: {  	s1 =	sld [smem:$0x3F8E];
	s0 =	simm.s32 @p0 $0x1  }
0x13: {  	[smem:$0x3FA9] =	sst s0;
	s0 =	simm.s32 @!p1 $0x0  }
0x14: {  	s2 =	sld [smem:$0x3F8D];
	s0 =	simm.s32 @p1 $0x1  }
0x15: {  	[smem:$0x3FAA] =	sst s0;
	s0 =	simm.s32 @!p2 $0x0  }
0x16: {  	s3 =	sld [smem:$0x3FDB];
	s0 =	simm.s32 @p2 $0x1  }
0x17: {  	s4 =	simm.s32 $0x1BF5;
	[smem:$0x3FAC] =	sst s0  }
0x18: {  	s0 =	sld [smem:$0x3F8F];
	_ =	swait.ge [sflag:s4], $0x0  }
0x19: {  	s7 =	sld [smem:$0x3F90]  }
0x1a: {  	s8 =	sadd.s32 $0xFFFFE003, lr  }
0x1b: {  	s9 =	sadd.s32 $0xFFFFFEF7, lr;
	s5 =	simm.s32 $0xFFFFFFFF;
	p2 =	slt.u32 s8, $0xFFFFF086  }
0x1c: {  	p1 =	slt.u32 s9, $0xF7A;
	s5 =	simm.s32 @!p2 $0x0  }
0x1d: {  	s5 =	simm.s32 @p1 $0x1;
	p0 =	seq.s32 s7, s2  }
0x1e: {  	s7 =	smul.u32 @!p0 $0xF7A, s2;
	p2 =	seq.s32 @!p0 s5, $0x0  }
0x1f: {  	s9 =	smul.u32 $0xF7A, s1;
	s8 =	simm.s32 @!p0 $0x1BF5;
	p2 =	por !p2, p0  }
0x20: {  	[sflag:s8] =	ssyncset.s32 @!p0 $0xFFFFF086;
	s6 =	sadd.s32 @!p0 s3, s7;
	s7 =	simm.s32 @!p0 $0x108  }
0x21: {  	s3 =	sadd.s32 s3, s9;
	s6 =	sadd.s32 @!p0 $0x88, s6;
	s7 =	simm.s32 @p2 $0x1082  }
0x22: {  	[simem:s7], [sflag:s8] =	dma.local @!p0 [hbm:s6], $0xF7A  }
0x23: {  	s9 =	sor.u32 $0xD0000000, s2;
	s6 =	simm.s32 $0x108;
	_ =	swait.ge @!p0 [sflag:s8], $0x0  }
0x24: {  	s3 =	sadd.s32 $0x88, s3;
	s6 =	simm.s32 @!p1 $0x1082;
	[sflag:s4] =	ssyncset.s32 $0xFFFFF086  }
0x25: {  	[simem:s6], [sflag:s4] =	dma.local [hbm:s3], $0xF7A  }
0x26: {  	[smem:$0x3F90] =	sst s1;
	(tag) =	ssettag s2;
	_ =	strace s9  }
0x27: {  	s1 =	sld [smem:$0x3FA0]  }
0x28: {  	s2 =	sld [smem:$0x3FA1]  }
0x29: {  	s4 =	sld [smem:$0x3FA3]  }
0x2a: {  	p0 =	seq.s32 s5, $0x0;
	s5 =	sld [smem:$0x3FA4]  }
0x2b: {  	s6 =	sld [smem:$0x3FA5]  }
0x2c: {  	s7 =	sld [smem:$0x3FA6]  }
0x2d: {  	s3 =	simm.s32 $0x108;
	s8 =	sld [smem:$0x3FA7]  }
0x2e: {  	s3 =	simm.s32 @!p0 $0x1082;
	s9 =	sld [smem:$0x3FA8]  }
0x2f: {  	lr =	sadd.s32 s0, s3;
	s0 =	sld [smem:$0x3F9F]  }
0x30: {  	s3 =	sld [smem:$0x3FA2]  }
0x31: {  	[smem:$0x3FAB] =	sst s10  }
0x32: {  	s10 =	sld [smem:$0x3FA9];
	_ =	sdelay $0x3  }
0x33: {  	p0 =	seq.s32 s10, $0x1;
	s10 =	sld [smem:$0x3FAB];
	_ =	sdelay $0x3  }
0x34: {  	[smem:$0x3FAB] =	sst s10  }
0x35: {  	s10 =	sld [smem:$0x3FAA];
	_ =	sdelay $0x3  }
0x36: {  	p1 =	seq.s32 s10, $0x1;
	s10 =	sld [smem:$0x3FAB];
	_ =	sdelay $0x3  }
0x37: {  	[smem:$0x3FAB] =	sst s10  }
0x38: {  	s10 =	sld [smem:$0x3FAC]  }
0x39: {  	_ = 	snop;
	(pc) =	sbr.ind lr, $3  }
0x3a: {  	_ = 	snop  }
0x3b: {  	_ = 	snop  }
0x3c: {  	p2 =	seq.s32 s10, $0x1;
	s10 =	sld [smem:$0x3FAB]  }
0x3d: {  	_ =	shalt  }
0x3e: {  	_ =	shalt  }
0x3f: {  	_ =	shalt  }
0x40: {  	_ =	shalt  }
0x41: {  	_ =	shalt  }
0x42: {  	_ =	shalt  }
0x43: {  	_ =	shalt  }
0x44: {  	_ =	shalt  }
0x45: {  	_ =	shalt  }
0x46: {  	_ =	shalt  }
0x47: {  	_ =	shalt  }
0x48: {  	_ =	shalt  }
0x49: {  	_ =	shalt  }
0x4a: {  	_ =	shalt  }
0x4b: {  	_ =	shalt  }
0x4c: {  	_ =	shalt  }
0x4d: {  	_ =	shalt  }
0x4e: {  	_ =	shalt  }
0x4f: {  	_ =	shalt  }
0x50: {  	_ =	shalt  }
0x51: {  	_ =	shalt  }
0x52: {  	_ =	shalt  }
0x53: {  	_ =	shalt  }
0x54: {  	_ =	shalt  }
0x55: {  	_ =	shalt  }
0x56: {  	_ =	shalt  }
0x57: {  	_ =	shalt  }
0x58: {  	_ =	shalt  }
0x59: {  	_ =	shalt  }
0x5a: {  	_ =	shalt  }
0x5b: {  	_ =	shalt  }
0x5c: {  	_ =	shalt  }
0x5d: {  	_ =	shalt  }
0x5e: {  	_ =	shalt  }
0x5f: {  	_ =	shalt  }
0x60: {  	_ =	shalt  }
0x61: {  	_ =	shalt  }
0x62: {  	_ =	shalt  }
0x63: {  	_ =	shalt  }
0x64: {  	_ =	shalt  }
0x65: {  	_ =	shalt  }
0x66: {  	_ =	shalt  }
0x67: {  	_ =	shalt  }
0x68: {  	_ =	shalt  }
0x69: {  	_ =	shalt  }
0x6a: {  	_ =	shalt  }
0x6b: {  	_ =	shalt  }
0x6c: {  	_ =	shalt  }
0x6d: {  	_ =	shalt  }
0x6e: {  	_ =	shalt  }
0x6f: {  	_ =	shalt  }
0x70: {  	_ =	shalt  }
0x71: {  	_ =	shalt  }
0x72: {  	_ =	shalt  }
0x73: {  	_ =	shalt  }
0x74: {  	_ =	shalt  }
0x75: {  	_ =	shalt  }
0x76: {  	_ =	shalt  }
0x77: {  	_ =	shalt  }
0x78: {  	_ =	shalt  }
0x79: {  	_ =	shalt  }
0x7a: {  	_ =	shalt  }
0x7b: {  	_ =	shalt  }
0x7c: {  	_ =	shalt  }
0x7d: {  	_ =	shalt  }
0x7e: {  	_ =	shalt  }
0x7f: {  	_ =	shalt  }
0x80: {  	_ =	shalt  }
0x81: {  	_ =	shalt  }
0x82: {  	_ =	shalt  }
0x83: {  	_ =	shalt  }
0x84: {  	_ =	shalt  }
0x85: {  	_ =	shalt  }
0x86: {  	_ =	shalt  }
0x87: {  	_ =	shalt  }
.Lfunc_end0:
.L_simem_size_0:
called_computation.1_lowered:
.L_overlay_start_0:
0x88: {  	s2 =	sld [smem:$0x3FD9]  }
0x89: {  	s3 =	sld [smem:$0x3FFE];
	_ =	sdelay $0x1  }
0x8a: {  	s1 =	srdreg.scid  }
0x8b: {  	s0 =	sand.u32 $0x1, s1  }
0x8c: {  	s17 =	sshll.u32 s0, $0xA;
	s2 =	sadd.s32 s3, s2  }
0x8d: {  	s2 =	sadd.s32 s2, s17  }
0x8e: {  	[smem:$0x3FB7] =	sst s2  }
0x8f: {  	_ = 	snop  }
0x90: {  	s2 =	sld [smem:$0x3FD0];
	(tm) =	ssettm $0x1  }
0x91: {  	s18 =	sld [smem:$0x3FFB];
	_ =	sdelay $0x3  }
0x92: {  	_ =	strace s18  }
0x93: {  	s3 =	sld [smem:$0x3FFC];
	_ =	sdelay $0x3  }
0x94: {  	_ =	strace s3  }
0x95: {  	s3 =	sld [smem:$0x3FFD];
	_ =	sdelay $0x3  }
0x96: {  	_ =	strace s3  }
0x97: {  	_ =	strace $0x8FFFFFFF  }
0x98: {  	s19 =	sld [smem:$0x3FDB];
	_ =	sdelay $0x1  }
0x99: {  	s4 =	simm.s32 $_scs_section_size  }
0x9a: {  	s5 =	simm.s32 $_size__tile_overlayer_lowered;
	s6 =	simm.s32 $_tile_overlayer_lowered  }
0x9b: {  	s22 =	simm.s32 $0x1BFF;
	s21 =	sshll.u32 s6, $0x1;
	s3 =	sadd.s32 s4, s19  }
0x9c: {  	s7 =	simm.s32 $0x0;
	s20 =	sshll.u32 s5, $0x1;
	s5 =	sadd.s32 s21, s3  }
0x9d: {  	[timem:s7], [sflag:s22] =	dma.local [hbm:s5], s20  }
0x9e: {  	_ =	swait.ge [sflag:s22], s20  }
0x9f: {  	s4 =	ssub.s32 $0x0, s20;
	[sflag:s22] =	ssyncset.done $0x0  }
0xa0: {  	[sflag:s22] =	ssyncadd.s32 s4;
	_ =	sdelay $0x1  }
0xa1: {  	s23 =	simm.s32 $0x1B8B  }
0xa2: {  	_ =	swait.ge [sflag:s23], $0x1  }
0xa3: {  	[sflag:s23] =	ssyncset.done $0x0  }
0xa4: {  	s25 =	simm.s32 $0x1B8E;
	s24 =	sld [smem:$0x3FFE];
	[sflag:s23] =	ssyncadd.s32 $0xFFFFFFFF  }
0xa5: {  	s26 =	simm.s32 $execute0_lowered;
	[smem:$0x3FD2] =	sst s25  }
0xa6: {  	s5 =	sshll.u32 s26, $0x1;
	_ =	strace $0x80000049;
	[dreg:$0x1] =	wrdreg $0xFFFFFFFF  }
0xa7: {  	s28 =	simm.s32 $_size_execute0_lowered;
	s3 =	sadd.s32 s3, s5;
	[dreg:$0x0] =	wrdreg $0x0  }
0xa8: {  	s5 =	sshll.u32 s28, $0x1;
	[dreg:$0x2] =	wrdreg s3  }
0xa9: {  	[dreg:$0x3] =	wrdreg s5  }
0xaa: {  	[dreg:$0x4] =	wrdreg $0xC0  }
0xab: {  	_ =	task [dreg:s7], $0x5FFFF  }
0xac: {  	[dreg:$0x1] =	wrdreg $0xFFFFFFFF  }
0xad: {  	[dreg:$0x0] =	wrdreg $0x60  }
0xae: {  	[dreg:$0x2] =	wrdreg s24  }
0xaf: {  	[dreg:$0x3] =	wrdreg s2  }
0xb0: {  	[dreg:$0x4] =	wrdreg $0x91000  }
0xb1: {  	[dreg:$0x5] =	wrdreg $0x9  }
0xb2: {  	_ =	task.clear_ibuf [dreg:s7], $0x6FFFF;
	_ =	strace $0x90000049  }
0xb3: {  	s29 =	simm.s32 $0x9;
	_ =	strace $0x8000004B  }
0xb4: {  	_ =	swait.ge [sflag:s29], $0x1  }
0xb5: {  	[sflag:s29] =	ssyncadd.s32 $0xFFFFFFFF  }
0xb6: {  	_ =	strace $0x9000004B  }
0xb7: {  	_ =	sfence  }
0xb8: {  	s30 =	sld [smem:$0x0];
	_ =	sdelay $0x2  }
0xb9: {  	s31 =	sshll.u32 s1, $0xD;
	s1 =	sshrl.u32 s1, $0x2  }
0xba: {  	s3 =	sand.u32 $0x4000, s31;
	s1 =	sadd.s32 s1, s30  }
0xbb: {  	s0 =	sor.u32 s3, s0;
	s1 =	sshll.u32 s1, $0x11  }
0xbc: {  	s0 =	sor.u32 s1, s0  }
0xbd: {  	s0 =	sadd.s32 $0x8F2B, s0  }
0xbe: {  	[sflag:s0] =	ssyncadd.remote.s32 $0x1  }
0xbf: {  	_ =	sfence.sel $0xFFFF  }
0xc0: {  	[dreg:$0x0] =	wrdreg $0xFFFFFFFF;
	(pc) =	sbr.abs _section_cstart, $3  }
0xc1: {  	[dreg:$0x1] =	wrdreg $0xFFFFFFFF  }
0xc2: {  	_ =	task.clear_ibuf [dreg:s7], $0x2FFFF;
	_ =	strace $0x9FFFFFFF  }
0xc3: {  	(tm) =	ssettm $0x7FFFFFFF  }
tec
execute0_lowered:
.L_overlay_start_1:
0x0: {  	(tag) =	ssettag $0x1  }
0x1: {  	s5 =	rddreg [dreg:$0x0]  }
0x2: {  	s2 =	rddreg [dreg:$0x1]  }
0x3: {  	s3 =	rddreg [dreg:$0x2]  }
0x4: {  	s0 =	rddreg [dreg:$0x3]  }
0x5: {  	s1 =	stileid.u32;
	s6 =	srdreg.scid;
	s4 =	simm.s32 $0x0  }
0x6: {  	s15 =	simm.s32 $0x80;
	s16 =	simm.s32 $0x2;
	s7 =	smul.u32 $0x16380, s1  }
0x7: {  	s17 =	simm.s32 $0x4900;
	s18 =	simm.s32 $0x0;
	s9 =	smul.u32 $0xA00, s1  }
0x8: {  	s6 =	sand.u32 $0x1, s6;
	[smem:$0x7FF] =	sst s4;
	s12 =	smul.u32 $0x2D0000, s1  }
0x9: {  	s11 =	sadd.s32 $0x22EE400, s5;
	s29 =	sshll.u32 s1, $0x6;
	s8 =	smul.u32 $0x163800, s6  }
0xa: {  	_ =	strace $0x8000004A;
	s10 =	smul.u32 $0x2D00000, s6;
	s6 =	ssub.s32 $0x2, s6  }
0xb: {  	s13 =	sadd.s32 s9, s5;
	s26 =	sshrl.u32 s6, $0x1;
	s30 =	sadd.s32 s7, s3  }
0xc: {  	s8 =	sadd.s32 s7, s8;
	s28 =	ssub.s32 s6, s26;
	s10 =	sadd.s32 s12, s10  }
0xd: {  	s6 =	sadd.s32 $0x50C400, s13;
	s12 =	sshrl.u32 s30, $0x3;
	s8 =	sshrl.u32 s8, $0x3  }
0xe: {  	s31 =	sshrl.u32 s10, $0x3;
	s10 =	sor.u32 $0x4800, s10;
	s9 =	smax.u32 s28, $0x1  }
0xf: {  	s8 =	sadd.s32 s8, s5;
	s5 =	sor.u32 $0x1C03, s29;
	s7 =	sadd.s32 s11, s31  }
0x10: {  	s14 =	sshrl.u32 s10, $0x3;
	s10 =	sadd.s32 $0x50C410, s13;
	s13 =	simm.s32 $0x3  }
0x11: {  	s8 =	sadd.s32 $0x2600, s8;
	s11 =	sadd.s32 s14, s11;
	s14 =	simm.s32 $0x100  }
.LBB2_1:
0x12: {  	[spmem:s12], [sflag:s5] =	dma.local [hbm:s2], $0x2C70  }
0x13: {  	_ =	swait.ge [sflag:s13], $0x2C70  }
0x14: {  	[sflag:s13] =	ssyncset.done $0x0  }
0x15: {  	[sflag:s13] =	ssyncadd.s32 $0xFFFFD390  }
0x16: {  	s19 =	sand.u32 $0x1, s4;
	[bflag:$0x0] =	sbarrier.arrive $0xFFFF  }
0x17: {  	[tilespmem:s4], [sflag:$0x1] =	stream.linear.gather [hbm4b:s6+s4], $0x80, $0x38;
	[tilespmem:$0x1F480] =	vst v63  }
0x18: {  	s20 =	sadd.s32 $0x1, s19  }
0x19: {  	[tilespmem:s14], [sflag:$0x1] =	stream.linear.gather [hbm4b:s7+s4], $0x4800, $0x38;
	[tilespmem:$0x1F480] =	vst v63  }
0x1a: {  	_ =	swait.ge [sflag:s20], $0x80  }
0x1b: {  	[sflag:s20] =	ssyncset.done $0x0  }
0x1c: {  	s21 =	sxor.u32 $0x1, s19;
	[sflag:s20] =	ssyncadd.s32 $0xFFFFFF80  }
0x1d: {  	s22 =	smul.u32 $0x12000, s21;
	_ =	swait.ge [sflag:s20], $0x4800  }
0x1e: {  	s23 =	smul.u32 $0x12000, s19;
	s29 =	sadd.s32 $0x1, s21;
	[sflag:s20] =	ssyncset.done $0x0  }
0x1f: {  	s21 =	sshll.u32 s21, $0x7;
	s22 =	sshrl.u32 s22, $0x2;
	[sflag:s20] =	ssyncadd.s32 $0xFFFFB800  }
0x20: {  	[tilespmem:s21], [sflag:s29] =	stream.linear.gather [hbm4b:s10+s4], $0x80, $0x38;
	[tilespmem:$0x1F480] =	vst v63  }
0x21: {  	s30 =	sshrl.u32 s23, $0x2;
	s22 =	sor.u32 $0x100, s22  }
0x22: {  	[tilespmem:s22], [sflag:s29] =	stream.linear.gather [hbm4b:s11+s4], $0x4800, $0x38;
	[tilespmem:$0x1F480] =	vst v63  }
0x23: {  	s19 =	sshll.u32 s19, $0x7;
	s31 =	sor.u32 $0x100, s30  }
0x24: {  	[spmem:s3] =	stream.indirect.scatter.add.f32 [tilespmem:s31], [sflag:$0x3], $0x90, s19, s15, $0xb8;
	[tilespmem:$0x1F480] =	vst v63  }
0x25: {  	s20 =	sadd.s32 $0x10, s10;
	s21 =	simm.s32 $0x1;
	_ =	swait.ge [sflag:s13], $0x4800  }
0x26: {  	s22 =	simm.s32 $0x2;
	s19 =	sadd.s32 $0x900, s11;
	[sflag:s13] =	ssyncset.done $0x0  }
.LBB2_2:
0x27: {  	s23 =	sand.u32 $0x1, s21  }
0x28: {  	[sflag:s13] =	ssyncadd.s32 $0xFFFFB800;
	s21 =	smov.u32 s22;
	s24 =	sadd.s32 $0x1, s22  }
0x29: {  	s25 =	sadd.s32 $0x1, s23;
	s26 =	smul.u32 $0x12000, s23;
	s28 =	sxor.u32 $0x1, s23  }
0x2a: {  	p0 =	sne.s32 s22, $0x9E;
	_ =	swait.ge [sflag:s25], $0x80;
	s22 =	smul.u32 $0x12000, s28  }
0x2b: {  	[sflag:s25] =	ssyncset.done $0x0;
	s26 =	sshrl.u32 s26, $0x2  }
0x2c: {  	[sflag:s25] =	ssyncadd.s32 $0xFFFFFF80;
	s22 =	sshrl.u32 s22, $0x2  }
0x2d: {  	_ =	swait.ge [sflag:s25], $0x4800  }
0x2e: {  	[sflag:s25] =	ssyncset.done $0x0  }
0x2f: {  	[sflag:s25] =	ssyncadd.s32 $0xFFFFB800;
	s25 =	sadd.s32 $0x1, s28;
	s28 =	sshll.u32 s28, $0x7  }
0x30: {  	[tilespmem:s28], [sflag:s25] =	stream.linear.gather [hbm4b:s20+s4], $0x80, $0x38;
	[tilespmem:$0x1F480] =	vst v63  }
0x31: {  	s22 =	sor.u32 $0x100, s22  }
0x32: {  	[tilespmem:s22], [sflag:s25] =	stream.linear.gather [hbm4b:s19+s4], $0x4800, $0x38;
	[tilespmem:$0x1F480] =	vst v63  }
.Ltmp0:
0x33: {  	_ = 	snop;
	(pc) =	sbr.rel @p0 .LBB2_2-.Ltmp0, $4  }
0x34: {  	s22 =	sshll.u32 s23, $0x7;
	s23 =	sor.u32 $0x100, s26  }
0x35: {  	[spmem:s3] =	stream.indirect.scatter.add.f32 [tilespmem:s23], [sflag:$0x3], $0x90, s22, s15, $0xb8;
	[tilespmem:$0x1F480] =	vst v63  }
0x36: {  	s20 =	sadd.s32 $0x10, s20;
	_ =	swait.ge [sflag:s13], $0x4800  }
0x37: {  	s19 =	sadd.s32 $0x900, s19;
	s22 =	smov.u32 s24;
	[sflag:s13] =	ssyncset.done $0x0  }
0x38: {  	s21 =	sand.u32 $0x1, s21  }
0x39: {  	[sflag:s13] =	ssyncadd.s32 $0xFFFFB800;
	s22 =	sadd.s32 $0x1, s21  }
0x3a: {  	_ =	swait.ge [sflag:s22], $0x80  }
0x3b: {  	[sflag:s22] =	ssyncset.done $0x0  }
0x3c: {  	s23 =	sxor.u32 $0x1, s21;
	[sflag:s22] =	ssyncadd.s32 $0xFFFFFF80  }
0x3d: {  	s24 =	smul.u32 $0x12000, s23;
	_ =	swait.ge [sflag:s22], $0x4800  }
0x3e: {  	s25 =	smul.u32 $0x12000, s21;
	s28 =	sadd.s32 $0x1, s23;
	[sflag:s22] =	ssyncset.done $0x0  }
0x3f: {  	s23 =	sshll.u32 s23, $0x7;
	s24 =	sshrl.u32 s24, $0x2;
	[sflag:s22] =	ssyncadd.s32 $0xFFFFB800  }
0x40: {  	[tilespmem:s23], [sflag:s28] =	stream.linear.gather [hbm4b:s20+s4], $0x80, $0x38;
	[tilespmem:$0x1F480] =	vst v63  }
0x41: {  	s29 =	sshrl.u32 s25, $0x2;
	s30 =	sor.u32 $0x100, s24  }
0x42: {  	[tilespmem:s30], [sflag:s28] =	stream.linear.gather [hbm4b:s19+s4], $0x4800, $0x38;
	[tilespmem:$0x1F480] =	vst v63  }
0x43: {  	s31 =	sshll.u32 s21, $0x7;
	s20 =	sor.u32 $0x100, s29  }
0x44: {  	[spmem:s3] =	stream.indirect.scatter.add.f32 [tilespmem:s20], [sflag:$0x3], $0x90, s31, s15, $0xb8;
	[tilespmem:$0x1F480] =	vst v63  }
0x45: {  	_ =	swait.ge [sflag:s13], $0x4800  }
0x46: {  	[sflag:s13] =	ssyncset.done $0x0  }
0x47: {  	[sflag:s13] =	ssyncadd.s32 $0xFFFFB800  }
0x48: {  	_ =	swait.ge [sflag:s16], $0x80  }
0x49: {  	[sflag:s16] =	ssyncset.done $0x0  }
0x4a: {  	[sflag:s16] =	ssyncadd.s32 $0xFFFFFF80  }
0x4b: {  	_ =	swait.ge [sflag:s16], $0x4800  }
0x4c: {  	[sflag:s16] =	ssyncset.done $0x0  }
0x4d: {  	[sflag:s16] =	ssyncadd.s32 $0xFFFFB800  }
0x4e: {  	[spmem:s3] =	stream.indirect.scatter.add.f32 [tilespmem:s17], [sflag:$0x3], $0x90, s15, s15, $0xb8;
	[tilespmem:$0x1F480] =	vst v63  }
0x4f: {  	_ =	swait.ge [sflag:s13], $0x4800  }
0x50: {  	s18 =	sadd.s32 $0x1, s18;
	[sflag:s13] =	ssyncset.done $0x0  }
0x51: {  	p0 =	sne.s32 s18, s9;
	[sflag:s13] =	ssyncadd.s32 $0xFFFFB800  }
.Ltmp1:
0x52: {  	[bflag:$0x0] =	sbarrier.arrive $0xFFFF;
	(pc) =	sbr.rel @p0 .LBB2_1-.Ltmp1, $4  }
0x53: {  	[hbm:s8], [sflag:s5] =	dma.local [spmem:s12], $0x2C70  }
0x54: {  	_ =	swait.ge [sflag:s13], $0x2C70  }
0x55: {  	[sflag:s13] =	ssyncset.done $0x0  }
0x56: {  	[sflag:s13] =	ssyncadd.s32 $0xFFFFD390  }
0x57: {  	_ =	sfence.sel $0x180000  }
0x58: {  	[bflag:$0x0] =	sbarrier.arrive $0xFFFF  }
0x59: {  	p0 =	sne.s32 s1, $0x0;
	_ =	strace $0x9000004A  }
0x5a: {  	s0 =	sadd.s32 @!p0 $0x100000, s0;
	[bflag:$0x2] =	sbarrier.arrive $0xFFFF  }
0x5b: {  	[sflag:s0] =	ssyncadd.tile.s32 @!p0 $0x1;
	_ =	shalt  }
.Lfunc_end2:
_tile_overlayer_lowered:
.L_overlay_start_2:
0x5c: {  	(tag) =	ssettag $0x2  }
0x5d: {  	s0 =	rddreg [dreg:$0x0];
	s2 =	stileid.u32  }
0x5e: {  	s1 =	rddreg [dreg:$0x1];
	p0 =	sne.s32 s2, $0x0  }
0x5f: {  	s3 =	rddreg [dreg:$0x2];
	[bflag:$0x3] =	sbarrier.arrive $0xFFFF;
	s2 =	simm.s32 @!p0 $0x1C03  }
0x60: {  	[timem:s3], [sflag:s2] =	dma.local @!p0 [hbm:s0], s1  }
0x61: {  	s0 =	simm.s32 @!p0 $0x3  }
0x62: {  	_ =	swait.ge @!p0 [sflag:s0], s1  }
0x63: {  	s1 =	ssub.s32 @!p0 $0x0, s1;
	[sflag:s0] =	ssyncset.done @!p0 $0x0  }
0x64: {  	[sflag:s0] =	ssyncadd.s32 @!p0 s1  }
0x65: {  	[bflag:$0x3] =	sbarrier.arrive $0xFFFF  }
0x66: {  	_ =	shalt  }

</sc_bundles>
